<compile_context>
chip_gen: v7x
topology: tpu7x:2x2x1
jax: 0.10.2.dev20260603
libtpu: 0.0.44.dev20260713+nightly
codegen_flags: <defaults>
</compile_context>

<pallas_src>
import functools

import jax
import jax.numpy as jnp
from jax import lax
from jax.experimental import pallas as pl
from jax.experimental.pallas import tpu as pltpu
from jax.experimental.pallas import tpu_sc as plsc

H = 128
H3 = 3 * H
N_NODES = 10000
N_EDGES = 160000
NUM_TYPES = 3
STEPS = [2, 1]

NC = 2
NS = 16
NW = NC * NS

N_PAD = 10240
E_PAD = 163840
EPW = E_PAD // NW
CHUNK = 128
NCHUNK = EPW // CHUNK
RPT = N_PAD // NS
ZROWS = 128

_mesh = plsc.VectorSubcoreMesh(core_axis_name="c", subcore_axis_name="s")


@functools.partial(
    pl.kernel,
    out_type=jax.ShapeDtypeStruct((N_PAD, H), jnp.float32),
    mesh=_mesh,
    scratch_types=[
        pltpu.VMEM((80,), jnp.int32),
        pltpu.VMEM((80, H), jnp.float32),
        pltpu.SemaphoreType.DMA,
    ],
)
def _embed_lookup(emb, ids, out, idx_v, rows_v, sem):
    wid = lax.axis_index("c") * NS + lax.axis_index("s")

    def body(k, _):
        base = wid * 320 + k * 80
        pltpu.sync_copy(ids.at[pl.ds(base, 80)], idx_v)
        pltpu.async_copy(emb.at[idx_v], rows_v, sem).wait()
        pltpu.sync_copy(rows_v, out.at[pl.ds(base, 80)])
        return 0

    lax.fori_loop(0, 4, body, 0)


@functools.partial(
    pl.kernel,
    out_type=jax.ShapeDtypeStruct((NC, N_PAD, H), jnp.float32),
    mesh=_mesh,
    scratch_types=[
        pltpu.VMEM((CHUNK,), jnp.int32),
        pltpu.VMEM((CHUNK,), jnp.int32),
        pltpu.VMEM((CHUNK,), jnp.int32),
        pltpu.VMEM((CHUNK,), jnp.int32),
        pltpu.VMEM((CHUNK, H), jnp.float32),
        pltpu.VMEM_SHARED((N_PAD, H), jnp.float32),
        pltpu.SemaphoreType.DMA,
    ],
)
def _messages(table, zeros, srca, typa, tgta, out,
              src_v, typ_v, tgt_v, gidx_v, rows_v, acc, sem):
    c = lax.axis_index("c")
    s = lax.axis_index("s")
    wid = c * NS + s

    def zbody(k, _):
        pltpu.sync_copy(zeros, acc.at[pl.ds(s * RPT + k * ZROWS, ZROWS)])
        return 0

    lax.fori_loop(0, RPT // ZROWS, zbody, 0)
    plsc.subcore_barrier()

    def ebody(k, _):
        base = wid * EPW + k * CHUNK
        pltpu.sync_copy(srca.at[pl.ds(base, CHUNK)], src_v)
        pltpu.sync_copy(typa.at[pl.ds(base, CHUNK)], typ_v)
        pltpu.sync_copy(tgta.at[pl.ds(base, CHUNK)], tgt_v)
        for i in range(CHUNK // 16):
            sl = pl.ds(i * 16, 16)
            gidx_v[sl] = src_v[sl] * 3 + typ_v[sl]
        pltpu.async_copy(table.at[gidx_v], rows_v, sem).wait()
        pltpu.sync_copy(rows_v, acc.at[tgt_v], add=True)
        return 0

    lax.fori_loop(0, NCHUNK, ebody, 0)
    plsc.subcore_barrier()

    pltpu.sync_copy(acc.at[pl.ds(s * RPT, RPT)], out.at[c, pl.ds(s * RPT, RPT)])


_BN = 1024


def _transform_body(s_ref, w_ref, b_ref, o_ref):
    o_ref[...] = (
        jnp.dot(s_ref[...], w_ref[...], preferred_element_type=jnp.float32)
        + b_ref[...]
    )


def _transform(states, wcat, bcat):
    return pl.pallas_call(
        _transform_body,
        grid=(N_PAD // _BN,),
        in_specs=[
            pl.BlockSpec((_BN, H), lambda i: (i, 0)),
            pl.BlockSpec((H, H3), lambda i: (0, 0)),
            pl.BlockSpec((1, H3), lambda i: (0, 0)),
        ],
        out_specs=pl.BlockSpec((_BN, H3), lambda i: (i, 0)),
        out_shape=jax.ShapeDtypeStruct((N_PAD, H3), jnp.float32),
    )(states, wcat, bcat)


def _gru_body(p_ref, s_ref, wx_ref, wh_ref, b_ref, o_ref):
    m = p_ref[0] + p_ref[1]
    h = s_ref[...]
    gx = jnp.dot(m, wx_ref[...], preferred_element_type=jnp.float32) + b_ref[...]
    gh = jnp.dot(h, wh_ref[...], preferred_element_type=jnp.float32)
    z = jax.nn.sigmoid(gx[:, :H] + gh[:, :H])
    r = jax.nn.sigmoid(gx[:, H:2 * H] + gh[:, H:2 * H])
    hcand = jnp.tanh(gx[:, 2 * H:] + r * gh[:, 2 * H:])
    o_ref[...] = z * h + (1.0 - z) * hcand


def _gru(partials, states, wx, wh, b):
    return pl.pallas_call(
        _gru_body,
        grid=(N_PAD // _BN,),
        in_specs=[
            pl.BlockSpec((NC, _BN, H), lambda i: (0, i, 0)),
            pl.BlockSpec((_BN, H), lambda i: (i, 0)),
            pl.BlockSpec((H, H3), lambda i: (0, 0)),
            pl.BlockSpec((H, H3), lambda i: (0, 0)),
            pl.BlockSpec((1, H3), lambda i: (0, 0)),
        ],
        out_specs=pl.BlockSpec((_BN, H), lambda i: (i, 0)),
        out_shape=jax.ShapeDtypeStruct((N_PAD, H), jnp.float32),
    )(partials, states, wx, wh, b)


def kernel(inputs, edge_index, edge_type, training, embed, type_w, type_b,
           gru_wx, gru_wh, gru_b):
    del training
    src = edge_index[0]
    tgt = edge_index[1]
    epad = E_PAD - N_EDGES
    srcp = jnp.concatenate([src, jnp.zeros((epad,), jnp.int32)])
    typp = jnp.concatenate([edge_type, jnp.zeros((epad,), jnp.int32)])
    tgtp = jnp.concatenate([tgt, jnp.full((epad,), N_NODES, jnp.int32)])
    idsp = jnp.concatenate([inputs, jnp.zeros((N_PAD - N_NODES,), jnp.int32)])
    zeros = jnp.zeros((ZROWS, H), jnp.float32)

    states = _embed_lookup(embed, idsp)

    for layer in range(len(STEPS)):
        wcat = type_w[layer].transpose(1, 0, 2).reshape(H, H3)
        bcat = type_b[layer].reshape(1, H3)
        wx = gru_wx[layer]
        wh = gru_wh[layer]
        b = gru_b[layer].reshape(1, H3)
        for _ in range(STEPS[layer]):
            tall = _transform(states, wcat, bcat)
            table = tall.reshape(NUM_TYPES * N_PAD, H)
            partials = _messages(table, zeros, srcp, typp, tgtp)
            states = _gru(partials, states, wx, wh, b)

    return states[:N_NODES]

# --- scband reference (transcript-rebuilt; emitter-appended) ---
"""Pipeline reference for scband-ggnn-75917841924388 (READ-ONLY COPY).

The authoritative reference and input builder live on the scoring server;
editing this copy changes nothing except your own understanding.
"""

import jax, jax.numpy as jnp
import numpy as np

VOCAB = 10000
EMBED = 128
HIDDEN = 128
NUM_EDGE_TYPES = 3
TIME_STEPS = [2, 1]
N_NODES = 10000
N_EDGES = 160000


def setup_inputs(seed: int = 0) -> dict:
    key = jax.random.key(seed)
    ks = jax.random.split(key, 10)
    std = HIDDEN ** (-0.5)
    L = len(TIME_STEPS)
    inputs = jax.random.randint(ks[0], (N_NODES,), 0, VOCAB, dtype=jnp.int32)
    edge_index = jax.random.randint(ks[1], (2, N_EDGES), 0, N_NODES, dtype=jnp.int32)
    edge_type = jax.random.randint(ks[2], (N_EDGES,), 0, NUM_EDGE_TYPES, dtype=jnp.int32)
    embed = jax.random.normal(ks[3], (VOCAB, EMBED), dtype=jnp.float32) * std
    type_w = jax.random.normal(ks[4], (L, NUM_EDGE_TYPES, HIDDEN, HIDDEN), dtype=jnp.float32) * std
    type_b = jax.random.normal(ks[5], (L, NUM_EDGE_TYPES, HIDDEN), dtype=jnp.float32) * std
    gru_wx = jax.random.normal(ks[6], (L, HIDDEN, 3 * HIDDEN), dtype=jnp.float32) * std
    gru_wh = jax.random.normal(ks[7], (L, HIDDEN, 3 * HIDDEN), dtype=jnp.float32) * std
    gru_b = jnp.zeros((L, 3 * HIDDEN), dtype=jnp.float32)
    return {"inputs": inputs, "edge_index": edge_index, "edge_type": edge_type,
            "training": False, "embed": embed, "type_w": type_w, "type_b": type_b,
            "gru_wx": gru_wx, "gru_wh": gru_wh, "gru_b": gru_b}


def _gru_cell(x, h, wx, wh, b):
    gx = x @ wx + b
    gh = h @ wh
    xz, xr, xh = jnp.split(gx, 3, axis=1)
    hz, hr, hh = jnp.split(gh, 3, axis=1)
    z = jax.nn.sigmoid(xz + hz)
    r = jax.nn.sigmoid(xr + hr)
    hcand = jnp.tanh(xh + r * hh)
    return z * h + (1.0 - z) * hcand


def reference(inputs, edge_index, edge_type, training, embed, type_w, type_b, gru_wx, gru_wh, gru_b):
    # partition edges by type (equivalent of tf.dynamic_partition); realized as
    # fixed-shape masked scatter-adds so the per-node sums match exactly
    src = edge_index[0]
    tgt = edge_index[1]

    states = jnp.take(embed, inputs, axis=0)  # embedding lookup [N, H]
    for layer_no, steps in enumerate(TIME_STEPS):
        for _step in range(steps):
            messages = jnp.zeros_like(states)
            for t in range(NUM_EDGE_TYPES):
                mask = (edge_type == t).astype(states.dtype)[:, None]
                edge_source_states = states[src]
                type_messages = (edge_source_states @ type_w[layer_no, t] + type_b[layer_no, t]) * mask
                messages = messages.at[tgt].add(type_messages)
            states = _gru_cell(messages, states, gru_wx[layer_no], gru_wh[layer_no], gru_b[layer_no])
            # dropout skipped: training=False (eval mode)
    return states

if __name__ == "__main__":
    import jax
    _d = setup_inputs()
    print(jax.jit(kernel)(*tuple(_d.values())))

</pallas_src>

<mosaic_0001>
#map = affine_map<(d0, d1) -> (0, 0)>
#map1 = affine_map<(d0, d1) -> (0)>
#map2 = affine_map<(d0, d1) -> (0, 0, 0)>
module attributes {stable_mosaic.version = 14 : i64} {
  func.func @_messages(%arg0: i32, %arg1: i32, %arg2: memref<30720x128xf32, #tpu.memory_space<hbm>>, %arg3: memref<128x128xf32, #tpu.memory_space<hbm>>, %arg4: memref<163840xi32, #tpu.memory_space<hbm>>, %arg5: memref<163840xi32, #tpu.memory_space<hbm>>, %arg6: memref<163840xi32, #tpu.memory_space<hbm>>, %arg7: memref<2x10240x128xf32, #tpu.memory_space<hbm>>, %arg8: memref<128xi32, #tpu.memory_space<vmem>>, %arg9: memref<128xi32, #tpu.memory_space<vmem>>, %arg10: memref<128xi32, #tpu.memory_space<vmem>>, %arg11: memref<128xi32, #tpu.memory_space<vmem>>, %arg12: memref<128x128xf32, #tpu.memory_space<vmem>>, %arg13: memref<10240x128xf32, #tpu.memory_space<vmem_shared>>, %arg14: memref<!tpu.dma_semaphore, #tpu.memory_space<semaphore_mem>>) attributes {dimension_semantics = [#tpu.dimension_semantics<core_parallel>, #tpu.dimension_semantics<subcore_parallel>], iteration_bounds = array<i64: 2, 16>, scalar_prefetch = 0 : i64, scratch_operands = 7 : i64, tpu.core_type = #tpu.core_type<sc_vector_subcore>, window_params = [{transform_indices = #map}, {transform_indices = #map}, {transform_indices = #map1}, {transform_indices = #map1}, {transform_indices = #map1}, {transform_indices = #map2}]} {
    %mul3A = arith.constant 16 : i32
    %mul3A_0 = arith.muli %arg0, %mul3A : i32
    %add3A = arith.addi %mul3A_0, %arg1 : i32
    %scan3A = arith.constant 0 : i32
    %scan3A_1 = arith.constant 0 : i32
    %scan3A_2 = arith.constant 5 : i32
    %scan3A_3 = arith.addi %scan3A_1, %scan3A_2 : i32
    %scan3A_4 = arith.constant 1 : i32
    %scan3A_5 = scf.for %scan3A_19 = %scan3A_1 to %scan3A_3 step %scan3A_4 iter_args(%scan3A_20 = %scan3A) -> (i32)  : i32 {
      %mul3A_21 = arith.constant 640 : i32
      %mul3A_22 = arith.muli %arg1, %mul3A_21 : i32
      %mul3A_23 = arith.constant 128 : i32
      %mul3A_24 = arith.muli %scan3A_19, %mul3A_23 : i32
      %add3A_25 = arith.addi %mul3A_22, %mul3A_24 : i32
      "tpu.region"() ({
        %run_scoped3A = tpu.sem_alloc : memref<!tpu.dma_semaphore, #tpu.memory_space<semaphore_mem>>
        %dma_start3A = arith.constant 0 : i32
        %dma_start3A_27 = tpu.memref_slice %arg13[%add3A_25, %dma_start3A] : memref<10240x128xf32, #tpu.memory_space<vmem_shared>> -> memref<128x128xf32, #tpu.memory_space<vmem_shared>>
        tpu.enqueue_dma source(%arg3 : memref<128x128xf32, #tpu.memory_space<hbm>>) target(%dma_start3A_27 : memref<128x128xf32, #tpu.memory_space<vmem_shared>>) target_semaphore(%run_scoped3A : memref<!tpu.dma_semaphore, #tpu.memory_space<semaphore_mem>>)
        %dma_wait3A = arith.constant 0 : i32
        %dma_wait3A_28 = tpu.memref_slice %arg13[%add3A_25, %dma_wait3A] : memref<10240x128xf32, #tpu.memory_space<vmem_shared>> -> memref<128x128xf32, #tpu.memory_space<vmem_shared>>
        tpu.wait_dma2 semaphore(%run_scoped3A : memref<!tpu.dma_semaphore, #tpu.memory_space<semaphore_mem>>) src(%arg3 : memref<128x128xf32, #tpu.memory_space<hbm>>) dst(%dma_wait3A_28 : memref<128x128xf32, #tpu.memory_space<vmem_shared>>)
        tpu.yield
      }) : () -> ()
      %scan3A_26 = arith.constant 0 : i32
      scf.yield %scan3A_26 : i32
    }
    %scan3A_6 = arith.constant 5 : i32
    %barrier3A = arith.constant 0 : index
    tpu.barrier barrier_id(%barrier3A)
    %scan3A_7 = arith.constant 0 : i32
    %scan3A_8 = arith.constant 0 : i32
    %scan3A_9 = arith.constant 40 : i32
    %scan3A_10 = arith.addi %scan3A_8, %scan3A_9 : i32
    %scan3A_11 = arith.constant 1 : i32
    %scan3A_12 = scf.for %scan3A_19 = %scan3A_8 to %scan3A_10 step %scan3A_11 iter_args(%scan3A_20 = %scan3A_7) -> (i32)  : i32 {
      %mul3A_21 = arith.constant 5120 : i32
      %mul3A_22 = arith.muli %add3A, %mul3A_21 : i32
      %mul3A_23 = arith.constant 128 : i32
      %mul3A_24 = arith.muli %scan3A_19, %mul3A_23 : i32
      %add3A_25 = arith.addi %mul3A_22, %mul3A_24 : i32
      "tpu.region"() ({
        %run_scoped3A = tpu.sem_alloc : memref<!tpu.dma_semaphore, #tpu.memory_space<semaphore_mem>>
        %dma_start3A_141 = tpu.memref_slice %arg4[%add3A_25] : memref<163840xi32, #tpu.memory_space<hbm>> -> memref<128xi32, #tpu.memory_space<hbm>>
        %dma_start3A_142 = tpu.memref_slice %arg4[%add3A_25] : memref<163840xi32, #tpu.memory_space<hbm>> -> memref<128xi32, #tpu.memory_space<hbm>>
        tpu.enqueue_dma source(%dma_start3A_142 : memref<128xi32, #tpu.memory_space<hbm>>) target(%arg8 : memref<128xi32, #tpu.memory_space<vmem>>) target_semaphore(%run_scoped3A : memref<!tpu.dma_semaphore, #tpu.memory_space<semaphore_mem>>)
        %dma_wait3A_143 = tpu.memref_slice %arg4[%add3A_25] : memref<163840xi32, #tpu.memory_space<hbm>> -> memref<128xi32, #tpu.memory_space<hbm>>
        %dma_wait3A_144 = tpu.memref_slice %arg4[%add3A_25] : memref<163840xi32, #tpu.memory_space<hbm>> -> memref<128xi32, #tpu.memory_space<hbm>>
        tpu.wait_dma2 semaphore(%run_scoped3A : memref<!tpu.dma_semaphore, #tpu.memory_space<semaphore_mem>>) src(%dma_wait3A_144 : memref<128xi32, #tpu.memory_space<hbm>>) dst(%arg8 : memref<128xi32, #tpu.memory_space<vmem>>)
        tpu.yield
      }) : () -> ()
      "tpu.region"() ({
        %run_scoped3A = tpu.sem_alloc : memref<!tpu.dma_semaphore, #tpu.memory_space<semaphore_mem>>
        %dma_start3A_141 = tpu.memref_slice %arg5[%add3A_25] : memref<163840xi32, #tpu.memory_space<hbm>> -> memref<128xi32, #tpu.memory_space<hbm>>
        %dma_start3A_142 = tpu.memref_slice %arg5[%add3A_25] : memref<163840xi32, #tpu.memory_space<hbm>> -> memref<128xi32, #tpu.memory_space<hbm>>
        tpu.enqueue_dma source(%dma_start3A_142 : memref<128xi32, #tpu.memory_space<hbm>>) target(%arg9 : memref<128xi32, #tpu.memory_space<vmem>>) target_semaphore(%run_scoped3A : memref<!tpu.dma_semaphore, #tpu.memory_space<semaphore_mem>>)
        %dma_wait3A_143 = tpu.memref_slice %arg5[%add3A_25] : memref<163840xi32, #tpu.memory_space<hbm>> -> memref<128xi32, #tpu.memory_space<hbm>>
        %dma_wait3A_144 = tpu.memref_slice %arg5[%add3A_25] : memref<163840xi32, #tpu.memory_space<hbm>> -> memref<128xi32, #tpu.memory_space<hbm>>
        tpu.wait_dma2 semaphore(%run_scoped3A : memref<!tpu.dma_semaphore, #tpu.memory_space<semaphore_mem>>) src(%dma_wait3A_144 : memref<128xi32, #tpu.memory_space<hbm>>) dst(%arg9 : memref<128xi32, #tpu.memory_space<vmem>>)
        tpu.yield
      }) : () -> ()
      "tpu.region"() ({
        %run_scoped3A = tpu.sem_alloc : memref<!tpu.dma_semaphore, #tpu.memory_space<semaphore_mem>>
        %dma_start3A_141 = tpu.memref_slice %arg6[%add3A_25] : memref<163840xi32, #tpu.memory_space<hbm>> -> memref<128xi32, #tpu.memory_space<hbm>>
        %dma_start3A_142 = tpu.memref_slice %arg6[%add3A_25] : memref<163840xi32, #tpu.memory_space<hbm>> -> memref<128xi32, #tpu.memory_space<hbm>>
        tpu.enqueue_dma source(%dma_start3A_142 : memref<128xi32, #tpu.memory_space<hbm>>) target(%arg10 : memref<128xi32, #tpu.memory_space<vmem>>) target_semaphore(%run_scoped3A : memref<!tpu.dma_semaphore, #tpu.memory_space<semaphore_mem>>)
        %dma_wait3A_143 = tpu.memref_slice %arg6[%add3A_25] : memref<163840xi32, #tpu.memory_space<hbm>> -> memref<128xi32, #tpu.memory_space<hbm>>
        %dma_wait3A_144 = tpu.memref_slice %arg6[%add3A_25] : memref<163840xi32, #tpu.memory_space<hbm>> -> memref<128xi32, #tpu.memory_space<hbm>>
        tpu.wait_dma2 semaphore(%run_scoped3A : memref<!tpu.dma_semaphore, #tpu.memory_space<semaphore_mem>>) src(%dma_wait3A_144 : memref<128xi32, #tpu.memory_space<hbm>>) dst(%arg10 : memref<128xi32, #tpu.memory_space<vmem>>)
        tpu.yield
      }) : () -> ()
      %get3A = arith.constant 0 : index
      %get3A_26 = tpu.vector_load %arg8[%get3A] {strides = array<i32>} : memref<128xi32, #tpu.memory_space<vmem>>, vector<16xi32>,
      %get3A_27 = vector.shape_cast %get3A_26 : vector<16xi32> to vector<16xi32>
      %mul3A_28 = arith.constant 3 : i32
      %mul3A_29 = vector.broadcast %mul3A_28 : i32 to vector<16xi32>
      %mul3A_30 = arith.muli %get3A_27, %mul3A_29 : vector<16xi32>
      %get3A_31 = arith.constant 0 : index
      %get3A_32 = tpu.vector_load %arg9[%get3A_31] {strides = array<i32>} : memref<128xi32, #tpu.memory_space<vmem>>, vector<16xi32>,
      %get3A_33 = vector.shape_cast %get3A_32 : vector<16xi32> to vector<16xi32>
      %add3A_34 = arith.addi %mul3A_30, %get3A_33 : vector<16xi32>
      %swap3A = arith.constant 0 : index
      %swap3A_35 = tpu.vector_load %arg11[%swap3A] {strides = array<i32>} : memref<128xi32, #tpu.memory_space<vmem>>, vector<16xi32>,
      %swap3A_36 = vector.shape_cast %swap3A_35 : vector<16xi32> to vector<16xi32>
      %swap3A_37 = vector.shape_cast %add3A_34 : vector<16xi32> to vector<16xi32>
      tpu.vector_store %arg11[%swap3A], %swap3A_37 {strides = array<i32>} : memref<128xi32, #tpu.memory_space<vmem>>, vector<16xi32>,
      %get3A_38 = arith.constant 16 : index
      %get3A_39 = tpu.vector_load %arg8[%get3A_38] {strides = array<i32>} : memref<128xi32, #tpu.memory_space<vmem>>, vector<16xi32>,
      %get3A_40 = vector.shape_cast %get3A_39 : vector<16xi32> to vector<16xi32>
      %mul3A_41 = arith.constant 3 : i32
      %mul3A_42 = vector.broadcast %mul3A_41 : i32 to vector<16xi32>
      %mul3A_43 = arith.muli %get3A_40, %mul3A_42 : vector<16xi32>
      %get3A_44 = arith.constant 16 : index
      %get3A_45 = tpu.vector_load %arg9[%get3A_44] {strides = array<i32>} : memref<128xi32, #tpu.memory_space<vmem>>, vector<16xi32>,
      %get3A_46 = vector.shape_cast %get3A_45 : vector<16xi32> to vector<16xi32>
      %add3A_47 = arith.addi %mul3A_43, %get3A_46 : vector<16xi32>
      %swap3A_48 = arith.constant 16 : index
      %swap3A_49 = tpu.vector_load %arg11[%swap3A_48] {strides = array<i32>} : memref<128xi32, #tpu.memory_space<vmem>>, vector<16xi32>,
      %swap3A_50 = vector.shape_cast %swap3A_49 : vector<16xi32> to vector<16xi32>
      %swap3A_51 = vector.shape_cast %add3A_47 : vector<16xi32> to vector<16xi32>
      tpu.vector_store %arg11[%swap3A_48], %swap3A_51 {strides = array<i32>} : memref<128xi32, #tpu.memory_space<vmem>>, vector<16xi32>,
      %get3A_52 = arith.constant 32 : index
      %get3A_53 = tpu.vector_load %arg8[%get3A_52] {strides = array<i32>} : memref<128xi32, #tpu.memory_space<vmem>>, vector<16xi32>,
      %get3A_54 = vector.shape_cast %get3A_53 : vector<16xi32> to vector<16xi32>
      %mul3A_55 = arith.constant 3 : i32
      %mul3A_56 = vector.broadcast %mul3A_55 : i32 to vector<16xi32>
      %mul3A_57 = arith.muli %get3A_54, %mul3A_56 : vector<16xi32>
      %get3A_58 = arith.constant 32 : index
      %get3A_59 = tpu.vector_load %arg9[%get3A_58] {strides = array<i32>} : memref<128xi32, #tpu.memory_space<vmem>>, vector<16xi32>,
      %get3A_60 = vector.shape_cast %get3A_59 : vector<16xi32> to vector<16xi32>
      %add3A_61 = arith.addi %mul3A_57, %get3A_60 : vector<16xi32>
      %swap3A_62 = arith.constant 32 : index
      %swap3A_63 = tpu.vector_load %arg11[%swap3A_62] {strides = array<i32>} : memref<128xi32, #tpu.memory_space<vmem>>, vector<16xi32>,
      %swap3A_64 = vector.shape_cast %swap3A_63 : vector<16xi32> to vector<16xi32>
      %swap3A_65 = vector.shape_cast %add3A_61 : vector<16xi32> to vector<16xi32>
      tpu.vector_store %arg11[%swap3A_62], %swap3A_65 {strides = array<i32>} : memref<128xi32, #tpu.memory_space<vmem>>, vector<16xi32>,
      %get3A_66 = arith.constant 48 : index
      %get3A_67 = tpu.vector_load %arg8[%get3A_66] {strides = array<i32>} : memref<128xi32, #tpu.memory_space<vmem>>, vector<16xi32>,
      %get3A_68 = vector.shape_cast %get3A_67 : vector<16xi32> to vector<16xi32>
      %mul3A_69 = arith.constant 3 : i32
      %mul3A_70 = vector.broadcast %mul3A_69 : i32 to vector<16xi32>
      %mul3A_71 = arith.muli %get3A_68, %mul3A_70 : vector<16xi32>
      %get3A_72 = arith.constant 48 : index
      %get3A_73 = tpu.vector_load %arg9[%get3A_72] {strides = array<i32>} : memref<128xi32, #tpu.memory_space<vmem>>, vector<16xi32>,
      %get3A_74 = vector.shape_cast %get3A_73 : vector<16xi32> to vector<16xi32>
      %add3A_75 = arith.addi %mul3A_71, %get3A_74 : vector<16xi32>
      %swap3A_76 = arith.constant 48 : index
      %swap3A_77 = tpu.vector_load %arg11[%swap3A_76] {strides = array<i32>} : memref<128xi32, #tpu.memory_space<vmem>>, vector<16xi32>,
      %swap3A_78 = vector.shape_cast %swap3A_77 : vector<16xi32> to vector<16xi32>
      %swap3A_79 = vector.shape_cast %add3A_75 : vector<16xi32> to vector<16xi32>
      tpu.vector_store %arg11[%swap3A_76], %swap3A_79 {strides = array<i32>} : memref<128xi32, #tpu.memory_space<vmem>>, vector<16xi32>,
      %get3A_80 = arith.constant 64 : index
      %get3A_81 = tpu.vector_load %arg8[%get3A_80] {strides = array<i32>} : memref<128xi32, #tpu.memory_space<vmem>>, vector<16xi32>,
      %get3A_82 = vector.shape_cast %get3A_81 : vector<16xi32> to vector<16xi32>
      %mul3A_83 = arith.constant 3 : i32
      %mul3A_84 = vector.broadcast %mul3A_83 : i32 to vector<16xi32>
      %mul3A_85 = arith.muli %get3A_82, %mul3A_84 : vector<16xi32>
      %get3A_86 = arith.constant 64 : index
      %get3A_87 = tpu.vector_load %arg9[%get3A_86] {strides = array<i32>} : memref<128xi32, #tpu.memory_space<vmem>>, vector<16xi32>,
      %get3A_88 = vector.shape_cast %get3A_87 : vector<16xi32> to vector<16xi32>
      %add3A_89 = arith.addi %mul3A_85, %get3A_88 : vector<16xi32>
      %swap3A_90 = arith.constant 64 : index
      %swap3A_91 = tpu.vector_load %arg11[%swap3A_90] {strides = array<i32>} : memref<128xi32, #tpu.memory_space<vmem>>, vector<16xi32>,
      %swap3A_92 = vector.shape_cast %swap3A_91 : vector<16xi32> to vector<16xi32>
      %swap3A_93 = vector.shape_cast %add3A_89 : vector<16xi32> to vector<16xi32>
      tpu.vector_store %arg11[%swap3A_90], %swap3A_93 {strides = array<i32>} : memref<128xi32, #tpu.memory_space<vmem>>, vector<16xi32>,
      %get3A_94 = arith.constant 80 : index
      %get3A_95 = tpu.vector_load %arg8[%get3A_94] {strides = array<i32>} : memref<128xi32, #tpu.memory_space<vmem>>, vector<16xi32>,
      %get3A_96 = vector.shape_cast %get3A_95 : vector<16xi32> to vector<16xi32>
      %mul3A_97 = arith.constant 3 : i32
      %mul3A_98 = vector.broadcast %mul3A_97 : i32 to vector<16xi32>
      %mul3A_99 = arith.muli %get3A_96, %mul3A_98 : vector<16xi32>
      %get3A_100 = arith.constant 80 : index
      %get3A_101 = tpu.vector_load %arg9[%get3A_100] {strides = array<i32>} : memref<128xi32, #tpu.memory_space<vmem>>, vector<16xi32>,
      %get3A_102 = vector.shape_cast %get3A_101 : vector<16xi32> to vector<16xi32>
      %add3A_103 = arith.addi %mul3A_99, %get3A_102 : vector<16xi32>
      %swap3A_104 = arith.constant 80 : index
      %swap3A_105 = tpu.vector_load %arg11[%swap3A_104] {strides = array<i32>} : memref<128xi32, #tpu.memory_space<vmem>>, vector<16xi32>,
      %swap3A_106 = vector.shape_cast %swap3A_105 : vector<16xi32> to vector<16xi32>
      %swap3A_107 = vector.shape_cast %add3A_103 : vector<16xi32> to vector<16xi32>
      tpu.vector_store %arg11[%swap3A_104], %swap3A_107 {strides = array<i32>} : memref<128xi32, #tpu.memory_space<vmem>>, vector<16xi32>,
      %get3A_108 = arith.constant 96 : index
      %get3A_109 = tpu.vector_load %arg8[%get3A_108] {strides = array<i32>} : memref<128xi32, #tpu.memory_space<vmem>>, vector<16xi32>,
      %get3A_110 = vector.shape_cast %get3A_109 : vector<16xi32> to vector<16xi32>
      %mul3A_111 = arith.constant 3 : i32
      %mul3A_112 = vector.broadcast %mul3A_111 : i32 to vector<16xi32>
      %mul3A_113 = arith.muli %get3A_110, %mul3A_112 : vector<16xi32>
      %get3A_114 = arith.constant 96 : index
      %get3A_115 = tpu.vector_load %arg9[%get3A_114] {strides = array<i32>} : memref<128xi32, #tpu.memory_space<vmem>>, vector<16xi32>,
      %get3A_116 = vector.shape_cast %get3A_115 : vector<16xi32> to vector<16xi32>
      %add3A_117 = arith.addi %mul3A_113, %get3A_116 : vector<16xi32>
      %swap3A_118 = arith.constant 96 : index
      %swap3A_119 = tpu.vector_load %arg11[%swap3A_118] {strides = array<i32>} : memref<128xi32, #tpu.memory_space<vmem>>, vector<16xi32>,
      %swap3A_120 = vector.shape_cast %swap3A_119 : vector<16xi32> to vector<16xi32>
      %swap3A_121 = vector.shape_cast %add3A_117 : vector<16xi32> to vector<16xi32>
      tpu.vector_store %arg11[%swap3A_118], %swap3A_121 {strides = array<i32>} : memref<128xi32, #tpu.memory_space<vmem>>, vector<16xi32>,
      %get3A_122 = arith.constant 112 : index
      %get3A_123 = tpu.vector_load %arg8[%get3A_122] {strides = array<i32>} : memref<128xi32, #tpu.memory_space<vmem>>, vector<16xi32>,
      %get3A_124 = vector.shape_cast %get3A_123 : vector<16xi32> to vector<16xi32>
      %mul3A_125 = arith.constant 3 : i32
      %mul3A_126 = vector.broadcast %mul3A_125 : i32 to vector<16xi32>
      %mul3A_127 = arith.muli %get3A_124, %mul3A_126 : vector<16xi32>
      %get3A_128 = arith.constant 112 : index
      %get3A_129 = tpu.vector_load %arg9[%get3A_128] {strides = array<i32>} : memref<128xi32, #tpu.memory_space<vmem>>, vector<16xi32>,
      %get3A_130 = vector.shape_cast %get3A_129 : vector<16xi32> to vector<16xi32>
      %add3A_131 = arith.addi %mul3A_127, %get3A_130 : vector<16xi32>
      %swap3A_132 = arith.constant 112 : index
      %swap3A_133 = tpu.vector_load %arg11[%swap3A_132] {strides = array<i32>} : memref<128xi32, #tpu.memory_space<vmem>>, vector<16xi32>,
      %swap3A_134 = vector.shape_cast %swap3A_133 : vector<16xi32> to vector<16xi32>
      %swap3A_135 = vector.shape_cast %add3A_131 : vector<16xi32> to vector<16xi32>
      tpu.vector_store %arg11[%swap3A_132], %swap3A_135 {strides = array<i32>} : memref<128xi32, #tpu.memory_space<vmem>>, vector<16xi32>,
      %dma_start3A = arith.constant 0 : i32
      %dma_start3A_136 = arith.constant 0 : i32
      %dma_start3A_137 = tpu.memref_slice %arg2[%dma_start3A, %dma_start3A_136] : memref<30720x128xf32, #tpu.memory_space<hbm>> -> memref<30720x128xf32, #tpu.memory_space<hbm>>
      tpu.enqueue_indirect_dma source(%dma_start3A_137 : memref<30720x128xf32, #tpu.memory_space<hbm>>) target(%arg12 : memref<128x128xf32, #tpu.memory_space<vmem>>) offsets(%arg11 : memref<128xi32, #tpu.memory_space<vmem>>) semaphore(%arg14 : memref<!tpu.dma_semaphore, #tpu.memory_space<semaphore_mem>>)
      %dma_wait3A = arith.constant 0 : i32
      %dma_wait3A_138 = arith.constant 0 : i32
      %dma_wait3A_139 = tpu.memref_slice %arg2[%dma_wait3A, %dma_wait3A_138] : memref<30720x128xf32, #tpu.memory_space<hbm>> -> memref<30720x128xf32, #tpu.memory_space<hbm>>
      tpu.wait_indirect_dma semaphore(%arg14 : memref<!tpu.dma_semaphore, #tpu.memory_space<semaphore_mem>>) src(%dma_wait3A_139 : memref<30720x128xf32, #tpu.memory_space<hbm>>) dst(%arg12 : memref<128x128xf32, #tpu.memory_space<vmem>>)
      "tpu.region"() ({
        %run_scoped3A = tpu.sem_alloc : memref<!tpu.dma_semaphore, #tpu.memory_space<semaphore_mem>>
        %dma_start3A_141 = arith.constant 0 : i32
        %dma_start3A_142 = arith.constant 0 : i32
        %dma_start3A_143 = tpu.memref_slice %arg13[%dma_start3A_141, %dma_start3A_142] : memref<10240x128xf32, #tpu.memory_space<vmem_shared>> -> memref<10240x128xf32, #tpu.memory_space<vmem_shared>>
        tpu.enqueue_indirect_dma source(%arg12 : memref<128x128xf32, #tpu.memory_space<vmem>>) target(%dma_start3A_143 : memref<10240x128xf32, #tpu.memory_space<vmem_shared>>) offsets(%arg10 : memref<128xi32, #tpu.memory_space<vmem>>) semaphore(%run_scoped3A : memref<!tpu.dma_semaphore, #tpu.memory_space<semaphore_mem>>) {add = true}
        %dma_wait3A_144 = arith.constant 0 : i32
        %dma_wait3A_145 = arith.constant 0 : i32
        %dma_wait3A_146 = tpu.memref_slice %arg13[%dma_wait3A_144, %dma_wait3A_145] : memref<10240x128xf32, #tpu.memory_space<vmem_shared>> -> memref<10240x128xf32, #tpu.memory_space<vmem_shared>>
        tpu.wait_indirect_dma semaphore(%run_scoped3A : memref<!tpu.dma_semaphore, #tpu.memory_space<semaphore_mem>>) src(%arg12 : memref<128x128xf32, #tpu.memory_space<vmem>>) dst(%dma_wait3A_146 : memref<10240x128xf32, #tpu.memory_space<vmem_shared>>)
        tpu.yield
      }) : () -> ()
      %scan3A_140 = arith.constant 0 : i32
      scf.yield %scan3A_140 : i32
    }
    %scan3A_13 = arith.constant 40 : i32
    %barrier3A_14 = arith.constant 0 : index
    tpu.barrier barrier_id(%barrier3A_14)
    %mul3A_15 = arith.constant 640 : i32
    %mul3A_16 = arith.muli %arg1, %mul3A_15 : i32
    %mul3A_17 = arith.constant 640 : i32
    %mul3A_18 = arith.muli %arg1, %mul3A_17 : i32
    "tpu.region"() ({
      %run_scoped3A = tpu.sem_alloc : memref<!tpu.dma_semaphore, #tpu.memory_space<semaphore_mem>>
      %dma_start3A = arith.constant 0 : i32
      %dma_start3A_19 = tpu.memref_slice %arg7[%arg0, %mul3A_18, %dma_start3A] : memref<2x10240x128xf32, #tpu.memory_space<hbm>> -> memref<1x640x128xf32, #tpu.memory_space<hbm>>
      %dma_start3A_20 = tpu.memref_squeeze %dma_start3A_19 : memref<1x640x128xf32, #tpu.memory_space<hbm>> -> memref<640x128xf32, #tpu.memory_space<hbm>>
      %dma_start3A_21 = arith.constant 0 : i32
      %dma_start3A_22 = tpu.memref_slice %arg13[%mul3A_16, %dma_start3A_21] : memref<10240x128xf32, #tpu.memory_space<vmem_shared>> -> memref<640x128xf32, #tpu.memory_space<vmem_shared>>
      tpu.enqueue_dma source(%dma_start3A_22 : memref<640x128xf32, #tpu.memory_space<vmem_shared>>) target(%dma_start3A_20 : memref<640x128xf32, #tpu.memory_space<hbm>>) target_semaphore(%run_scoped3A : memref<!tpu.dma_semaphore, #tpu.memory_space<semaphore_mem>>)
      %dma_wait3A = arith.constant 0 : i32
      %dma_wait3A_23 = tpu.memref_slice %arg7[%arg0, %mul3A_18, %dma_wait3A] : memref<2x10240x128xf32, #tpu.memory_space<hbm>> -> memref<1x640x128xf32, #tpu.memory_space<hbm>>
      %dma_wait3A_24 = tpu.memref_squeeze %dma_wait3A_23 : memref<1x640x128xf32, #tpu.memory_space<hbm>> -> memref<640x128xf32, #tpu.memory_space<hbm>>
      %dma_wait3A_25 = arith.constant 0 : i32
      %dma_wait3A_26 = tpu.memref_slice %arg13[%mul3A_16, %dma_wait3A_25] : memref<10240x128xf32, #tpu.memory_space<vmem_shared>> -> memref<640x128xf32, #tpu.memory_space<vmem_shared>>
      tpu.wait_dma2 semaphore(%run_scoped3A : memref<!tpu.dma_semaphore, #tpu.memory_space<semaphore_mem>>) src(%dma_wait3A_26 : memref<640x128xf32, #tpu.memory_space<vmem_shared>>) dst(%dma_wait3A_24 : memref<640x128xf32, #tpu.memory_space<hbm>>)
      tpu.yield
    }) : () -> ()
    return
  }
}

#map = affine_map<(d0, d1) -> (0, 0)>
#map1 = affine_map<(d0, d1) -> (0)>
#map2 = affine_map<(d0, d1) -> (0, 0, 0)>
module attributes {stable_mosaic.version = 14 : i64} {
  func.func @_messages(%arg0: i32, %arg1: i32, %arg2: memref<30720x128xf32, #tpu.memory_space<hbm>>, %arg3: memref<128x128xf32, #tpu.memory_space<hbm>>, %arg4: memref<163840xi32, #tpu.memory_space<hbm>>, %arg5: memref<163840xi32, #tpu.memory_space<hbm>>, %arg6: memref<163840xi32, #tpu.memory_space<hbm>>, %arg7: memref<2x10240x128xf32, #tpu.memory_space<hbm>>, %arg8: memref<128xi32, #tpu.memory_space<vmem>>, %arg9: memref<128xi32, #tpu.memory_space<vmem>>, %arg10: memref<128xi32, #tpu.memory_space<vmem>>, %arg11: memref<128xi32, #tpu.memory_space<vmem>>, %arg12: memref<128x128xf32, #tpu.memory_space<vmem>>, %arg13: memref<10240x128xf32, #tpu.memory_space<vmem_shared>>, %arg14: memref<!tpu.dma_semaphore, #tpu.memory_space<semaphore_mem>>) attributes {dimension_semantics = [#tpu.dimension_semantics<core_parallel>, #tpu.dimension_semantics<subcore_parallel>], iteration_bounds = array<i64: 2, 16>, scalar_prefetch = 0 : i64, scratch_operands = 7 : i64, tpu.core_type = #tpu.core_type<sc_vector_subcore>, window_params = [{transform_indices = #map}, {transform_indices = #map}, {transform_indices = #map1}, {transform_indices = #map1}, {transform_indices = #map1}, {transform_indices = #map2}]} {
    %mul3A = arith.constant 16 : i32
    %mul3A_0 = arith.muli %arg0, %mul3A : i32
    %add3A = arith.addi %mul3A_0, %arg1 : i32
    %scan3A = arith.constant 0 : i32
    %scan3A_1 = arith.constant 0 : i32
    %scan3A_2 = arith.constant 5 : i32
    %scan3A_3 = arith.addi %scan3A_1, %scan3A_2 : i32
    %scan3A_4 = arith.constant 1 : i32
    %scan3A_5 = scf.for %scan3A_19 = %scan3A_1 to %scan3A_3 step %scan3A_4 iter_args(%scan3A_20 = %scan3A) -> (i32)  : i32 {
      %mul3A_21 = arith.constant 640 : i32
      %mul3A_22 = arith.muli %arg1, %mul3A_21 : i32
      %mul3A_23 = arith.constant 128 : i32
      %mul3A_24 = arith.muli %scan3A_19, %mul3A_23 : i32
      %add3A_25 = arith.addi %mul3A_22, %mul3A_24 : i32
      "tpu.region"() ({
        %run_scoped3A = tpu.sem_alloc : memref<!tpu.dma_semaphore, #tpu.memory_space<semaphore_mem>>
        %dma_start3A = arith.constant 0 : i32
        %dma_start3A_27 = tpu.memref_slice %arg13[%add3A_25, %dma_start3A] : memref<10240x128xf32, #tpu.memory_space<vmem_shared>> -> memref<128x128xf32, #tpu.memory_space<vmem_shared>>
        tpu.enqueue_dma source(%arg3 : memref<128x128xf32, #tpu.memory_space<hbm>>) target(%dma_start3A_27 : memref<128x128xf32, #tpu.memory_space<vmem_shared>>) target_semaphore(%run_scoped3A : memref<!tpu.dma_semaphore, #tpu.memory_space<semaphore_mem>>)
        %dma_wait3A = arith.constant 0 : i32
        %dma_wait3A_28 = tpu.memref_slice %arg13[%add3A_25, %dma_wait3A] : memref<10240x128xf32, #tpu.memory_space<vmem_shared>> -> memref<128x128xf32, #tpu.memory_space<vmem_shared>>
        tpu.wait_dma2 semaphore(%run_scoped3A : memref<!tpu.dma_semaphore, #tpu.memory_space<semaphore_mem>>) src(%arg3 : memref<128x128xf32, #tpu.memory_space<hbm>>) dst(%dma_wait3A_28 : memref<128x128xf32, #tpu.memory_space<vmem_shared>>)
        tpu.yield
      }) : () -> ()
      %scan3A_26 = arith.constant 0 : i32
      scf.yield %scan3A_26 : i32
    }
    %scan3A_6 = arith.constant 5 : i32
    %barrier3A = arith.constant 0 : index
    tpu.barrier barrier_id(%barrier3A)
    %scan3A_7 = arith.constant 0 : i32
    %scan3A_8 = arith.constant 0 : i32
    %scan3A_9 = arith.constant 40 : i32
    %scan3A_10 = arith.addi %scan3A_8, %scan3A_9 : i32
    %scan3A_11 = arith.constant 1 : i32
    %scan3A_12 = scf.for %scan3A_19 = %scan3A_8 to %scan3A_10 step %scan3A_11 iter_args(%scan3A_20 = %scan3A_7) -> (i32)  : i32 {
      %mul3A_21 = arith.constant 5120 : i32
      %mul3A_22 = arith.muli %add3A, %mul3A_21 : i32
      %mul3A_23 = arith.constant 128 : i32
      %mul3A_24 = arith.muli %scan3A_19, %mul3A_23 : i32
      %add3A_25 = arith.addi %mul3A_22, %mul3A_24 : i32
      "tpu.region"() ({
        %run_scoped3A = tpu.sem_alloc : memref<!tpu.dma_semaphore, #tpu.memory_space<semaphore_mem>>
        %dma_start3A_141 = tpu.memref_slice %arg4[%add3A_25] : memref<163840xi32, #tpu.memory_space<hbm>> -> memref<128xi32, #tpu.memory_space<hbm>>
        %dma_start3A_142 = tpu.memref_slice %arg4[%add3A_25] : memref<163840xi32, #tpu.memory_space<hbm>> -> memref<128xi32, #tpu.memory_space<hbm>>
        tpu.enqueue_dma source(%dma_start3A_142 : memref<128xi32, #tpu.memory_space<hbm>>) target(%arg8 : memref<128xi32, #tpu.memory_space<vmem>>) target_semaphore(%run_scoped3A : memref<!tpu.dma_semaphore, #tpu.memory_space<semaphore_mem>>)
        %dma_wait3A_143 = tpu.memref_slice %arg4[%add3A_25] : memref<163840xi32, #tpu.memory_space<hbm>> -> memref<128xi32, #tpu.memory_space<hbm>>
        %dma_wait3A_144 = tpu.memref_slice %arg4[%add3A_25] : memref<163840xi32, #tpu.memory_space<hbm>> -> memref<128xi32, #tpu.memory_space<hbm>>
        tpu.wait_dma2 semaphore(%run_scoped3A : memref<!tpu.dma_semaphore, #tpu.memory_space<semaphore_mem>>) src(%dma_wait3A_144 : memref<128xi32, #tpu.memory_space<hbm>>) dst(%arg8 : memref<128xi32, #tpu.memory_space<vmem>>)
        tpu.yield
      }) : () -> ()
      "tpu.region"() ({
        %run_scoped3A = tpu.sem_alloc : memref<!tpu.dma_semaphore, #tpu.memory_space<semaphore_mem>>
        %dma_start3A_141 = tpu.memref_slice %arg5[%add3A_25] : memref<163840xi32, #tpu.memory_space<hbm>> -> memref<128xi32, #tpu.memory_space<hbm>>
        %dma_start3A_142 = tpu.memref_slice %arg5[%add3A_25] : memref<163840xi32, #tpu.memory_space<hbm>> -> memref<128xi32, #tpu.memory_space<hbm>>
        tpu.enqueue_dma source(%dma_start3A_142 : memref<128xi32, #tpu.memory_space<hbm>>) target(%arg9 : memref<128xi32, #tpu.memory_space<vmem>>) target_semaphore(%run_scoped3A : memref<!tpu.dma_semaphore, #tpu.memory_space<semaphore_mem>>)
        %dma_wait3A_143 = tpu.memref_slice %arg5[%add3A_25] : memref<163840xi32, #tpu.memory_space<hbm>> -> memref<128xi32, #tpu.memory_space<hbm>>
        %dma_wait3A_144 = tpu.memref_slice %arg5[%add3A_25] : memref<163840xi32, #tpu.memory_space<hbm>> -> memref<128xi32, #tpu.memory_space<hbm>>
        tpu.wait_dma2 semaphore(%run_scoped3A : memref<!tpu.dma_semaphore, #tpu.memory_space<semaphore_mem>>) src(%dma_wait3A_144 : memref<128xi32, #tpu.memory_space<hbm>>) dst(%arg9 : memref<128xi32, #tpu.memory_space<vmem>>)
        tpu.yield
      }) : () -> ()
      "tpu.region"() ({
        %run_scoped3A = tpu.sem_alloc : memref<!tpu.dma_semaphore, #tpu.memory_space<semaphore_mem>>
        %dma_start3A_141 = tpu.memref_slice %arg6[%add3A_25] : memref<163840xi32, #tpu.memory_space<hbm>> -> memref<128xi32, #tpu.memory_space<hbm>>
        %dma_start3A_142 = tpu.memref_slice %arg6[%add3A_25] : memref<163840xi32, #tpu.memory_space<hbm>> -> memref<128xi32, #tpu.memory_space<hbm>>
        tpu.enqueue_dma source(%dma_start3A_142 : memref<128xi32, #tpu.memory_space<hbm>>) target(%arg10 : memref<128xi32, #tpu.memory_space<vmem>>) target_semaphore(%run_scoped3A : memref<!tpu.dma_semaphore, #tpu.memory_space<semaphore_mem>>)
        %dma_wait3A_143 = tpu.memref_slice %arg6[%add3A_25] : memref<163840xi32, #tpu.memory_space<hbm>> -> memref<128xi32, #tpu.memory_space<hbm>>
        %dma_wait3A_144 = tpu.memref_slice %arg6[%add3A_25] : memref<163840xi32, #tpu.memory_space<hbm>> -> memref<128xi32, #tpu.memory_space<hbm>>
        tpu.wait_dma2 semaphore(%run_scoped3A : memref<!tpu.dma_semaphore, #tpu.memory_space<semaphore_mem>>) src(%dma_wait3A_144 : memref<128xi32, #tpu.memory_space<hbm>>) dst(%arg10 : memref<128xi32, #tpu.memory_space<vmem>>)
        tpu.yield
      }) : () -> ()
      %get3A = arith.constant 0 : index
      %get3A_26 = tpu.vector_load %arg8[%get3A] {strides = array<i32>} : memref<128xi32, #tpu.memory_space<vmem>>, vector<16xi32>,
      %get3A_27 = vector.shape_cast %get3A_26 : vector<16xi32> to vector<16xi32>
      %mul3A_28 = arith.constant 3 : i32
      %mul3A_29 = vector.broadcast %mul3A_28 : i32 to vector<16xi32>
      %mul3A_30 = arith.muli %get3A_27, %mul3A_29 : vector<16xi32>
      %get3A_31 = arith.constant 0 : index
      %get3A_32 = tpu.vector_load %arg9[%get3A_31] {strides = array<i32>} : memref<128xi32, #tpu.memory_space<vmem>>, vector<16xi32>,
      %get3A_33 = vector.shape_cast %get3A_32 : vector<16xi32> to vector<16xi32>
      %add3A_34 = arith.addi %mul3A_30, %get3A_33 : vector<16xi32>
      %swap3A = arith.constant 0 : index
      %swap3A_35 = tpu.vector_load %arg11[%swap3A] {strides = array<i32>} : memref<128xi32, #tpu.memory_space<vmem>>, vector<16xi32>,
      %swap3A_36 = vector.shape_cast %swap3A_35 : vector<16xi32> to vector<16xi32>
      %swap3A_37 = vector.shape_cast %add3A_34 : vector<16xi32> to vector<16xi32>
      tpu.vector_store %arg11[%swap3A], %swap3A_37 {strides = array<i32>} : memref<128xi32, #tpu.memory_space<vmem>>, vector<16xi32>,
      %get3A_38 = arith.constant 16 : index
      %get3A_39 = tpu.vector_load %arg8[%get3A_38] {strides = array<i32>} : memref<128xi32, #tpu.memory_space<vmem>>, vector<16xi32>,
      %get3A_40 = vector.shape_cast %get3A_39 : vector<16xi32> to vector<16xi32>
      %mul3A_41 = arith.constant 3 : i32
      %mul3A_42 = vector.broadcast %mul3A_41 : i32 to vector<16xi32>
      %mul3A_43 = arith.muli %get3A_40, %mul3A_42 : vector<16xi32>
      %get3A_44 = arith.constant 16 : index
      %get3A_45 = tpu.vector_load %arg9[%get3A_44] {strides = array<i32>} : memref<128xi32, #tpu.memory_space<vmem>>, vector<16xi32>,
      %get3A_46 = vector.shape_cast %get3A_45 : vector<16xi32> to vector<16xi32>
      %add3A_47 = arith.addi %mul3A_43, %get3A_46 : vector<16xi32>
      %swap3A_48 = arith.constant 16 : index
      %swap3A_49 = tpu.vector_load %arg11[%swap3A_48] {strides = array<i32>} : memref<128xi32, #tpu.memory_space<vmem>>, vector<16xi32>,
      %swap3A_50 = vector.shape_cast %swap3A_49 : vector<16xi32> to vector<16xi32>
      %swap3A_51 = vector.shape_cast %add3A_47 : vector<16xi32> to vector<16xi32>
      tpu.vector_store %arg11[%swap3A_48], %swap3A_51 {strides = array<i32>} : memref<128xi32, #tpu.memory_space<vmem>>, vector<16xi32>,
      %get3A_52 = arith.constant 32 : index
      %get3A_53 = tpu.vector_load %arg8[%get3A_52] {strides = array<i32>} : memref<128xi32, #tpu.memory_space<vmem>>, vector<16xi32>,
      %get3A_54 = vector.shape_cast %get3A_53 : vector<16xi32> to vector<16xi32>
      %mul3A_55 = arith.constant 3 : i32
      %mul3A_56 = vector.broadcast %mul3A_55 : i32 to vector<16xi32>
      %mul3A_57 = arith.muli %get3A_54, %mul3A_56 : vector<16xi32>
      %get3A_58 = arith.constant 32 : index
      %get3A_59 = tpu.vector_load %arg9[%get3A_58] {strides = array<i32>} : memref<128xi32, #tpu.memory_space<vmem>>, vector<16xi32>,
      %get3A_60 = vector.shape_cast %get3A_59 : vector<16xi32> to vector<16xi32>
      %add3A_61 = arith.addi %mul3A_57, %get3A_60 : vector<16xi32>
      %swap3A_62 = arith.constant 32 : index
      %swap3A_63 = tpu.vector_load %arg11[%swap3A_62] {strides = array<i32>} : memref<128xi32, #tpu.memory_space<vmem>>, vector<16xi32>,
      %swap3A_64 = vector.shape_cast %swap3A_63 : vector<16xi32> to vector<16xi32>
      %swap3A_65 = vector.shape_cast %add3A_61 : vector<16xi32> to vector<16xi32>
      tpu.vector_store %arg11[%swap3A_62], %swap3A_65 {strides = array<i32>} : memref<128xi32, #tpu.memory_space<vmem>>, vector<16xi32>,
      %get3A_66 = arith.constant 48 : index
      %get3A_67 = tpu.vector_load %arg8[%get3A_66] {strides = array<i32>} : memref<128xi32, #tpu.memory_space<vmem>>, vector<16xi32>,
      %get3A_68 = vector.shape_cast %get3A_67 : vector<16xi32> to vector<16xi32>
      %mul3A_69 = arith.constant 3 : i32
      %mul3A_70 = vector.broadcast %mul3A_69 : i32 to vector<16xi32>
      %mul3A_71 = arith.muli %get3A_68, %mul3A_70 : vector<16xi32>
      %get3A_72 = arith.constant 48 : index
      %get3A_73 = tpu.vector_load %arg9[%get3A_72] {strides = array<i32>} : memref<128xi32, #tpu.memory_space<vmem>>, vector<16xi32>,
      %get3A_74 = vector.shape_cast %get3A_73 : vector<16xi32> to vector<16xi32>
      %add3A_75 = arith.addi %mul3A_71, %get3A_74 : vector<16xi32>
      %swap3A_76 = arith.constant 48 : index
      %swap3A_77 = tpu.vector_load %arg11[%swap3A_76] {strides = array<i32>} : memref<128xi32, #tpu.memory_space<vmem>>, vector<16xi32>,
      %swap3A_78 = vector.shape_cast %swap3A_77 : vector<16xi32> to vector<16xi32>
      %swap3A_79 = vector.shape_cast %add3A_75 : vector<16xi32> to vector<16xi32>
      tpu.vector_store %arg11[%swap3A_76], %swap3A_79 {strides = array<i32>} : memref<128xi32, #tpu.memory_space<vmem>>, vector<16xi32>,
      %get3A_80 = arith.constant 64 : index
      %get3A_81 = tpu.vector_load %arg8[%get3A_80] {strides = array<i32>} : memref<128xi32, #tpu.memory_space<vmem>>, vector<16xi32>,
      %get3A_82 = vector.shape_cast %get3A_81 : vector<16xi32> to vector<16xi32>
      %mul3A_83 = arith.constant 3 : i32
      %mul3A_84 = vector.broadcast %mul3A_83 : i32 to vector<16xi32>
      %mul3A_85 = arith.muli %get3A_82, %mul3A_84 : vector<16xi32>
      %get3A_86 = arith.constant 64 : index
      %get3A_87 = tpu.vector_load %arg9[%get3A_86] {strides = array<i32>} : memref<128xi32, #tpu.memory_space<vmem>>, vector<16xi32>,
      %get3A_88 = vector.shape_cast %get3A_87 : vector<16xi32> to vector<16xi32>
      %add3A_89 = arith.addi %mul3A_85, %get3A_88 : vector<16xi32>
      %swap3A_90 = arith.constant 64 : index
      %swap3A_91 = tpu.vector_load %arg11[%swap3A_90] {strides = array<i32>} : memref<128xi32, #tpu.memory_space<vmem>>, vector<16xi32>,
      %swap3A_92 = vector.shape_cast %swap3A_91 : vector<16xi32> to vector<16xi32>
      %swap3A_93 = vector.shape_cast %add3A_89 : vector<16xi32> to vector<16xi32>
      tpu.vector_store %arg11[%swap3A_90], %swap3A_93 {strides = array<i32>} : memref<128xi32, #tpu.memory_space<vmem>>, vector<16xi32>,
      %get3A_94 = arith.constant 80 : index
      %get3A_95 = tpu.vector_load %arg8[%get3A_94] {strides = array<i32>} : memref<128xi32, #tpu.memory_space<vmem>>, vector<16xi32>,
      %get3A_96 = vector.shape_cast %get3A_95 : vector<16xi32> to vector<16xi32>
      %mul3A_97 = arith.constant 3 : i32
      %mul3A_98 = vector.broadcast %mul3A_97 : i32 to vector<16xi32>
      %mul3A_99 = arith.muli %get3A_96, %mul3A_98 : vector<16xi32>
      %get3A_100 = arith.constant 80 : index
      %get3A_101 = tpu.vector_load %arg9[%get3A_100] {strides = array<i32>} : memref<128xi32, #tpu.memory_space<vmem>>, vector<16xi32>,
      %get3A_102 = vector.shape_cast %get3A_101 : vector<16xi32> to vector<16xi32>
      %add3A_103 = arith.addi %mul3A_99, %get3A_102 : vector<16xi32>
      %swap3A_104 = arith.constant 80 : index
      %swap3A_105 = tpu.vector_load %arg11[%swap3A_104] {strides = array<i32>} : memref<128xi32, #tpu.memory_space<vmem>>, vector<16xi32>,
      %swap3A_106 = vector.shape_cast %swap3A_105 : vector<16xi32> to vector<16xi32>
      %swap3A_107 = vector.shape_cast %add3A_103 : vector<16xi32> to vector<16xi32>
      tpu.vector_store %arg11[%swap3A_104], %swap3A_107 {strides = array<i32>} : memref<128xi32, #tpu.memory_space<vmem>>, vector<16xi32>,
      %get3A_108 = arith.constant 96 : index
      %get3A_109 = tpu.vector_load %arg8[%get3A_108] {strides = array<i32>} : memref<128xi32, #tpu.memory_space<vmem>>, vector<16xi32>,
      %get3A_110 = vector.shape_cast %get3A_109 : vector<16xi32> to vector<16xi32>
      %mul3A_111 = arith.constant 3 : i32
      %mul3A_112 = vector.broadcast %mul3A_111 : i32 to vector<16xi32>
      %mul3A_113 = arith.muli %get3A_110, %mul3A_112 : vector<16xi32>
      %get3A_114 = arith.constant 96 : index
      %get3A_115 = tpu.vector_load %arg9[%get3A_114] {strides = array<i32>} : memref<128xi32, #tpu.memory_space<vmem>>, vector<16xi32>,
      %get3A_116 = vector.shape_cast %get3A_115 : vector<16xi32> to vector<16xi32>
      %add3A_117 = arith.addi %mul3A_113, %get3A_116 : vector<16xi32>
      %swap3A_118 = arith.constant 96 : index
      %swap3A_119 = tpu.vector_load %arg11[%swap3A_118] {strides = array<i32>} : memref<128xi32, #tpu.memory_space<vmem>>, vector<16xi32>,
      %swap3A_120 = vector.shape_cast %swap3A_119 : vector<16xi32> to vector<16xi32>
      %swap3A_121 = vector.shape_cast %add3A_117 : vector<16xi32> to vector<16xi32>
      tpu.vector_store %arg11[%swap3A_118], %swap3A_121 {strides = array<i32>} : memref<128xi32, #tpu.memory_space<vmem>>, vector<16xi32>,
      %get3A_122 = arith.constant 112 : index
      %get3A_123 = tpu.vector_load %arg8[%get3A_122] {strides = array<i32>} : memref<128xi32, #tpu.memory_space<vmem>>, vector<16xi32>,
      %get3A_124 = vector.shape_cast %get3A_123 : vector<16xi32> to vector<16xi32>
      %mul3A_125 = arith.constant 3 : i32
      %mul3A_126 = vector.broadcast %mul3A_125 : i32 to vector<16xi32>
      %mul3A_127 = arith.muli %get3A_124, %mul3A_126 : vector<16xi32>
      %get3A_128 = arith.constant 112 : index
      %get3A_129 = tpu.vector_load %arg9[%get3A_128] {strides = array<i32>} : memref<128xi32, #tpu.memory_space<vmem>>, vector<16xi32>,
      %get3A_130 = vector.shape_cast %get3A_129 : vector<16xi32> to vector<16xi32>
      %add3A_131 = arith.addi %mul3A_127, %get3A_130 : vector<16xi32>
      %swap3A_132 = arith.constant 112 : index
      %swap3A_133 = tpu.vector_load %arg11[%swap3A_132] {strides = array<i32>} : memref<128xi32, #tpu.memory_space<vmem>>, vector<16xi32>,
      %swap3A_134 = vector.shape_cast %swap3A_133 : vector<16xi32> to vector<16xi32>
      %swap3A_135 = vector.shape_cast %add3A_131 : vector<16xi32> to vector<16xi32>
      tpu.vector_store %arg11[%swap3A_132], %swap3A_135 {strides = array<i32>} : memref<128xi32, #tpu.memory_space<vmem>>, vector<16xi32>,
      %dma_start3A = arith.constant 0 : i32
      %dma_start3A_136 = arith.constant 0 : i32
      %dma_start3A_137 = tpu.memref_slice %arg2[%dma_start3A, %dma_start3A_136] : memref<30720x128xf32, #tpu.memory_space<hbm>> -> memref<30720x128xf32, #tpu.memory_space<hbm>>
      tpu.enqueue_indirect_dma source(%dma_start3A_137 : memref<30720x128xf32, #tpu.memory_space<hbm>>) target(%arg12 : memref<128x128xf32, #tpu.memory_space<vmem>>) offsets(%arg11 : memref<128xi32, #tpu.memory_space<vmem>>) semaphore(%arg14 : memref<!tpu.dma_semaphore, #tpu.memory_space<semaphore_mem>>)
      %dma_wait3A = arith.constant 0 : i32
      %dma_wait3A_138 = arith.constant 0 : i32
      %dma_wait3A_139 = tpu.memref_slice %arg2[%dma_wait3A, %dma_wait3A_138] : memref<30720x128xf32, #tpu.memory_space<hbm>> -> memref<30720x128xf32, #tpu.memory_space<hbm>>
      tpu.wait_indirect_dma semaphore(%arg14 : memref<!tpu.dma_semaphore, #tpu.memory_space<semaphore_mem>>) src(%dma_wait3A_139 : memref<30720x128xf32, #tpu.memory_space<hbm>>) dst(%arg12 : memref<128x128xf32, #tpu.memory_space<vmem>>)
      "tpu.region"() ({
        %run_scoped3A = tpu.sem_alloc : memref<!tpu.dma_semaphore, #tpu.memory_space<semaphore_mem>>
        %dma_start3A_141 = arith.constant 0 : i32
        %dma_start3A_142 = arith.constant 0 : i32
        %dma_start3A_143 = tpu.memref_slice %arg13[%dma_start3A_141, %dma_start3A_142] : memref<10240x128xf32, #tpu.memory_space<vmem_shared>> -> memref<10240x128xf32, #tpu.memory_space<vmem_shared>>
        tpu.enqueue_indirect_dma source(%arg12 : memref<128x128xf32, #tpu.memory_space<vmem>>) target(%dma_start3A_143 : memref<10240x128xf32, #tpu.memory_space<vmem_shared>>) offsets(%arg10 : memref<128xi32, #tpu.memory_space<vmem>>) semaphore(%run_scoped3A : memref<!tpu.dma_semaphore, #tpu.memory_space<semaphore_mem>>) {add = true}
        %dma_wait3A_144 = arith.constant 0 : i32
        %dma_wait3A_145 = arith.constant 0 : i32
        %dma_wait3A_146 = tpu.memref_slice %arg13[%dma_wait3A_144, %dma_wait3A_145] : memref<10240x128xf32, #tpu.memory_space<vmem_shared>> -> memref<10240x128xf32, #tpu.memory_space<vmem_shared>>
        tpu.wait_indirect_dma semaphore(%run_scoped3A : memref<!tpu.dma_semaphore, #tpu.memory_space<semaphore_mem>>) src(%arg12 : memref<128x128xf32, #tpu.memory_space<vmem>>) dst(%dma_wait3A_146 : memref<10240x128xf32, #tpu.memory_space<vmem_shared>>)
        tpu.yield
      }) : () -> ()
      %scan3A_140 = arith.constant 0 : i32
      scf.yield %scan3A_140 : i32
    }
    %scan3A_13 = arith.constant 40 : i32
    %barrier3A_14 = arith.constant 0 : index
    tpu.barrier barrier_id(%barrier3A_14)
    %mul3A_15 = arith.constant 640 : i32
    %mul3A_16 = arith.muli %arg1, %mul3A_15 : i32
    %mul3A_17 = arith.constant 640 : i32
    %mul3A_18 = arith.muli %arg1, %mul3A_17 : i32
    "tpu.region"() ({
      %run_scoped3A = tpu.sem_alloc : memref<!tpu.dma_semaphore, #tpu.memory_space<semaphore_mem>>
      %dma_start3A = arith.constant 0 : i32
      %dma_start3A_19 = tpu.memref_slice %arg7[%arg0, %mul3A_18, %dma_start3A] : memref<2x10240x128xf32, #tpu.memory_space<hbm>> -> memref<1x640x128xf32, #tpu.memory_space<hbm>>
      %dma_start3A_20 = tpu.memref_squeeze %dma_start3A_19 : memref<1x640x128xf32, #tpu.memory_space<hbm>> -> memref<640x128xf32, #tpu.memory_space<hbm>>
      %dma_start3A_21 = arith.constant 0 : i32
      %dma_start3A_22 = tpu.memref_slice %arg13[%mul3A_16, %dma_start3A_21] : memref<10240x128xf32, #tpu.memory_space<vmem_shared>> -> memref<640x128xf32, #tpu.memory_space<vmem_shared>>
      tpu.enqueue_dma source(%dma_start3A_22 : memref<640x128xf32, #tpu.memory_space<vmem_shared>>) target(%dma_start3A_20 : memref<640x128xf32, #tpu.memory_space<hbm>>) target_semaphore(%run_scoped3A : memref<!tpu.dma_semaphore, #tpu.memory_space<semaphore_mem>>)
      %dma_wait3A = arith.constant 0 : i32
      %dma_wait3A_23 = tpu.memref_slice %arg7[%arg0, %mul3A_18, %dma_wait3A] : memref<2x10240x128xf32, #tpu.memory_space<hbm>> -> memref<1x640x128xf32, #tpu.memory_space<hbm>>
      %dma_wait3A_24 = tpu.memref_squeeze %dma_wait3A_23 : memref<1x640x128xf32, #tpu.memory_space<hbm>> -> memref<640x128xf32, #tpu.memory_space<hbm>>
      %dma_wait3A_25 = arith.constant 0 : i32
      %dma_wait3A_26 = tpu.memref_slice %arg13[%mul3A_16, %dma_wait3A_25] : memref<10240x128xf32, #tpu.memory_space<vmem_shared>> -> memref<640x128xf32, #tpu.memory_space<vmem_shared>>
      tpu.wait_dma2 semaphore(%run_scoped3A : memref<!tpu.dma_semaphore, #tpu.memory_space<semaphore_mem>>) src(%dma_wait3A_26 : memref<640x128xf32, #tpu.memory_space<vmem_shared>>) dst(%dma_wait3A_24 : memref<640x128xf32, #tpu.memory_space<hbm>>)
      tpu.yield
    }) : () -> ()
    return
  }
}

#map = affine_map<(d0, d1) -> (0, 0)>
#map1 = affine_map<(d0, d1) -> (0)>
module attributes {stable_mosaic.version = 14 : i64} {
  func.func @_embed_lookup(%arg0: i32, %arg1: i32, %arg2: memref<10000x128xf32, #tpu.memory_space<hbm>>, %arg3: memref<10240xi32, #tpu.memory_space<hbm>>, %arg4: memref<10240x128xf32, #tpu.memory_space<hbm>>, %arg5: memref<80xi32, #tpu.memory_space<vmem>>, %arg6: memref<80x128xf32, #tpu.memory_space<vmem>>, %arg7: memref<!tpu.dma_semaphore, #tpu.memory_space<semaphore_mem>>) attributes {dimension_semantics = [#tpu.dimension_semantics<core_parallel>, #tpu.dimension_semantics<subcore_parallel>], iteration_bounds = array<i64: 2, 16>, scalar_prefetch = 0 : i64, scratch_operands = 3 : i64, tpu.core_type = #tpu.core_type<sc_vector_subcore>, window_params = [{transform_indices = #map}, {transform_indices = #map1}, {transform_indices = #map}]} {
    %mul3A = arith.constant 16 : i32
    %mul3A_0 = arith.muli %arg0, %mul3A : i32
    %add3A = arith.addi %mul3A_0, %arg1 : i32
    %scan3A = arith.constant 0 : i32
    %scan3A_1 = arith.constant 0 : i32
    %scan3A_2 = arith.constant 4 : i32
    %scan3A_3 = arith.addi %scan3A_1, %scan3A_2 : i32
    %scan3A_4 = arith.constant 1 : i32
    %scan3A_5 = scf.for %scan3A_7 = %scan3A_1 to %scan3A_3 step %scan3A_4 iter_args(%scan3A_8 = %scan3A) -> (i32)  : i32 {
      %mul3A_9 = arith.constant 320 : i32
      %mul3A_10 = arith.muli %add3A, %mul3A_9 : i32
      %mul3A_11 = arith.constant 80 : i32
      %mul3A_12 = arith.muli %scan3A_7, %mul3A_11 : i32
      %add3A_13 = arith.addi %mul3A_10, %mul3A_12 : i32
      "tpu.region"() ({
        %run_scoped3A = tpu.sem_alloc : memref<!tpu.dma_semaphore, #tpu.memory_space<semaphore_mem>>
        %dma_start3A_19 = tpu.memref_slice %arg3[%add3A_13] : memref<10240xi32, #tpu.memory_space<hbm>> -> memref<80xi32, #tpu.memory_space<hbm>>
        %dma_start3A_20 = tpu.memref_slice %arg3[%add3A_13] : memref<10240xi32, #tpu.memory_space<hbm>> -> memref<80xi32, #tpu.memory_space<hbm>>
        tpu.enqueue_dma source(%dma_start3A_20 : memref<80xi32, #tpu.memory_space<hbm>>) target(%arg5 : memref<80xi32, #tpu.memory_space<vmem>>) target_semaphore(%run_scoped3A : memref<!tpu.dma_semaphore, #tpu.memory_space<semaphore_mem>>)
        %dma_wait3A_21 = tpu.memref_slice %arg3[%add3A_13] : memref<10240xi32, #tpu.memory_space<hbm>> -> memref<80xi32, #tpu.memory_space<hbm>>
        %dma_wait3A_22 = tpu.memref_slice %arg3[%add3A_13] : memref<10240xi32, #tpu.memory_space<hbm>> -> memref<80xi32, #tpu.memory_space<hbm>>
        tpu.wait_dma2 semaphore(%run_scoped3A : memref<!tpu.dma_semaphore, #tpu.memory_space<semaphore_mem>>) src(%dma_wait3A_22 : memref<80xi32, #tpu.memory_space<hbm>>) dst(%arg5 : memref<80xi32, #tpu.memory_space<vmem>>)
        tpu.yield
      }) : () -> ()
      %dma_start3A = arith.constant 0 : i32
      %dma_start3A_14 = arith.constant 0 : i32
      %dma_start3A_15 = tpu.memref_slice %arg2[%dma_start3A, %dma_start3A_14] : memref<10000x128xf32, #tpu.memory_space<hbm>> -> memref<10000x128xf32, #tpu.memory_space<hbm>>
      tpu.enqueue_indirect_dma source(%dma_start3A_15 : memref<10000x128xf32, #tpu.memory_space<hbm>>) target(%arg6 : memref<80x128xf32, #tpu.memory_space<vmem>>) offsets(%arg5 : memref<80xi32, #tpu.memory_space<vmem>>) semaphore(%arg7 : memref<!tpu.dma_semaphore, #tpu.memory_space<semaphore_mem>>)
      %dma_wait3A = arith.constant 0 : i32
      %dma_wait3A_16 = arith.constant 0 : i32
      %dma_wait3A_17 = tpu.memref_slice %arg2[%dma_wait3A, %dma_wait3A_16] : memref<10000x128xf32, #tpu.memory_space<hbm>> -> memref<10000x128xf32, #tpu.memory_space<hbm>>
      tpu.wait_indirect_dma semaphore(%arg7 : memref<!tpu.dma_semaphore, #tpu.memory_space<semaphore_mem>>) src(%dma_wait3A_17 : memref<10000x128xf32, #tpu.memory_space<hbm>>) dst(%arg6 : memref<80x128xf32, #tpu.memory_space<vmem>>)
      "tpu.region"() ({
        %run_scoped3A = tpu.sem_alloc : memref<!tpu.dma_semaphore, #tpu.memory_space<semaphore_mem>>
        %dma_start3A_19 = arith.constant 0 : i32
        %dma_start3A_20 = tpu.memref_slice %arg4[%add3A_13, %dma_start3A_19] : memref<10240x128xf32, #tpu.memory_space<hbm>> -> memref<80x128xf32, #tpu.memory_space<hbm>>
        %dma_start3A_21 = arith.constant 0 : i32
        %dma_start3A_22 = tpu.memref_slice %arg4[%add3A_13, %dma_start3A_21] : memref<10240x128xf32, #tpu.memory_space<hbm>> -> memref<80x128xf32, #tpu.memory_space<hbm>>
        tpu.enqueue_dma source(%arg6 : memref<80x128xf32, #tpu.memory_space<vmem>>) target(%dma_start3A_22 : memref<80x128xf32, #tpu.memory_space<hbm>>) target_semaphore(%run_scoped3A : memref<!tpu.dma_semaphore, #tpu.memory_space<semaphore_mem>>)
        %dma_wait3A_23 = arith.constant 0 : i32
        %dma_wait3A_24 = tpu.memref_slice %arg4[%add3A_13, %dma_wait3A_23] : memref<10240x128xf32, #tpu.memory_space<hbm>> -> memref<80x128xf32, #tpu.memory_space<hbm>>
        %dma_wait3A_25 = arith.constant 0 : i32
        %dma_wait3A_26 = tpu.memref_slice %arg4[%add3A_13, %dma_wait3A_25] : memref<10240x128xf32, #tpu.memory_space<hbm>> -> memref<80x128xf32, #tpu.memory_space<hbm>>
        tpu.wait_dma2 semaphore(%run_scoped3A : memref<!tpu.dma_semaphore, #tpu.memory_space<semaphore_mem>>) src(%arg6 : memref<80x128xf32, #tpu.memory_space<vmem>>) dst(%dma_wait3A_26 : memref<80x128xf32, #tpu.memory_space<hbm>>)
        tpu.yield
      }) : () -> ()
      %scan3A_18 = arith.constant 0 : i32
      scf.yield %scan3A_18 : i32
    }
    %scan3A_6 = arith.constant 4 : i32
    return
  }
}

#map = affine_map<(d0, d1) -> (0, 0)>
#map1 = affine_map<(d0, d1) -> (0)>
#map2 = affine_map<(d0, d1) -> (0, 0, 0)>
module attributes {stable_mosaic.version = 14 : i64} {
  func.func @_messages(%arg0: i32, %arg1: i32, %arg2: memref<30720x128xf32, #tpu.memory_space<hbm>>, %arg3: memref<128x128xf32, #tpu.memory_space<hbm>>, %arg4: memref<163840xi32, #tpu.memory_space<hbm>>, %arg5: memref<163840xi32, #tpu.memory_space<hbm>>, %arg6: memref<163840xi32, #tpu.memory_space<hbm>>, %arg7: memref<2x10240x128xf32, #tpu.memory_space<hbm>>, %arg8: memref<128xi32, #tpu.memory_space<vmem>>, %arg9: memref<128xi32, #tpu.memory_space<vmem>>, %arg10: memref<128xi32, #tpu.memory_space<vmem>>, %arg11: memref<128xi32, #tpu.memory_space<vmem>>, %arg12: memref<128x128xf32, #tpu.memory_space<vmem>>, %arg13: memref<10240x128xf32, #tpu.memory_space<vmem_shared>>, %arg14: memref<!tpu.dma_semaphore, #tpu.memory_space<semaphore_mem>>) attributes {dimension_semantics = [#tpu.dimension_semantics<core_parallel>, #tpu.dimension_semantics<subcore_parallel>], iteration_bounds = array<i64: 2, 16>, scalar_prefetch = 0 : i64, scratch_operands = 7 : i64, tpu.core_type = #tpu.core_type<sc_vector_subcore>, window_params = [{transform_indices = #map}, {transform_indices = #map}, {transform_indices = #map1}, {transform_indices = #map1}, {transform_indices = #map1}, {transform_indices = #map2}]} {
    %mul3A = arith.constant 16 : i32
    %mul3A_0 = arith.muli %arg0, %mul3A : i32
    %add3A = arith.addi %mul3A_0, %arg1 : i32
    %scan3A = arith.constant 0 : i32
    %scan3A_1 = arith.constant 0 : i32
    %scan3A_2 = arith.constant 5 : i32
    %scan3A_3 = arith.addi %scan3A_1, %scan3A_2 : i32
    %scan3A_4 = arith.constant 1 : i32
    %scan3A_5 = scf.for %scan3A_19 = %scan3A_1 to %scan3A_3 step %scan3A_4 iter_args(%scan3A_20 = %scan3A) -> (i32)  : i32 {
      %mul3A_21 = arith.constant 640 : i32
      %mul3A_22 = arith.muli %arg1, %mul3A_21 : i32
      %mul3A_23 = arith.constant 128 : i32
      %mul3A_24 = arith.muli %scan3A_19, %mul3A_23 : i32
      %add3A_25 = arith.addi %mul3A_22, %mul3A_24 : i32
      "tpu.region"() ({
        %run_scoped3A = tpu.sem_alloc : memref<!tpu.dma_semaphore, #tpu.memory_space<semaphore_mem>>
        %dma_start3A = arith.constant 0 : i32
        %dma_start3A_27 = tpu.memref_slice %arg13[%add3A_25, %dma_start3A] : memref<10240x128xf32, #tpu.memory_space<vmem_shared>> -> memref<128x128xf32, #tpu.memory_space<vmem_shared>>
        tpu.enqueue_dma source(%arg3 : memref<128x128xf32, #tpu.memory_space<hbm>>) target(%dma_start3A_27 : memref<128x128xf32, #tpu.memory_space<vmem_shared>>) target_semaphore(%run_scoped3A : memref<!tpu.dma_semaphore, #tpu.memory_space<semaphore_mem>>)
        %dma_wait3A = arith.constant 0 : i32
        %dma_wait3A_28 = tpu.memref_slice %arg13[%add3A_25, %dma_wait3A] : memref<10240x128xf32, #tpu.memory_space<vmem_shared>> -> memref<128x128xf32, #tpu.memory_space<vmem_shared>>
        tpu.wait_dma2 semaphore(%run_scoped3A : memref<!tpu.dma_semaphore, #tpu.memory_space<semaphore_mem>>) src(%arg3 : memref<128x128xf32, #tpu.memory_space<hbm>>) dst(%dma_wait3A_28 : memref<128x128xf32, #tpu.memory_space<vmem_shared>>)
        tpu.yield
      }) : () -> ()
      %scan3A_26 = arith.constant 0 : i32
      scf.yield %scan3A_26 : i32
    }
    %scan3A_6 = arith.constant 5 : i32
    %barrier3A = arith.constant 0 : index
    tpu.barrier barrier_id(%barrier3A)
    %scan3A_7 = arith.constant 0 : i32
    %scan3A_8 = arith.constant 0 : i32
    %scan3A_9 = arith.constant 40 : i32
    %scan3A_10 = arith.addi %scan3A_8, %scan3A_9 : i32
    %scan3A_11 = arith.constant 1 : i32
    %scan3A_12 = scf.for %scan3A_19 = %scan3A_8 to %scan3A_10 step %scan3A_11 iter_args(%scan3A_20 = %scan3A_7) -> (i32)  : i32 {
      %mul3A_21 = arith.constant 5120 : i32
      %mul3A_22 = arith.muli %add3A, %mul3A_21 : i32
      %mul3A_23 = arith.constant 128 : i32
      %mul3A_24 = arith.muli %scan3A_19, %mul3A_23 : i32
      %add3A_25 = arith.addi %mul3A_22, %mul3A_24 : i32
      "tpu.region"() ({
        %run_scoped3A = tpu.sem_alloc : memref<!tpu.dma_semaphore, #tpu.memory_space<semaphore_mem>>
        %dma_start3A_141 = tpu.memref_slice %arg4[%add3A_25] : memref<163840xi32, #tpu.memory_space<hbm>> -> memref<128xi32, #tpu.memory_space<hbm>>
        %dma_start3A_142 = tpu.memref_slice %arg4[%add3A_25] : memref<163840xi32, #tpu.memory_space<hbm>> -> memref<128xi32, #tpu.memory_space<hbm>>
        tpu.enqueue_dma source(%dma_start3A_142 : memref<128xi32, #tpu.memory_space<hbm>>) target(%arg8 : memref<128xi32, #tpu.memory_space<vmem>>) target_semaphore(%run_scoped3A : memref<!tpu.dma_semaphore, #tpu.memory_space<semaphore_mem>>)
        %dma_wait3A_143 = tpu.memref_slice %arg4[%add3A_25] : memref<163840xi32, #tpu.memory_space<hbm>> -> memref<128xi32, #tpu.memory_space<hbm>>
        %dma_wait3A_144 = tpu.memref_slice %arg4[%add3A_25] : memref<163840xi32, #tpu.memory_space<hbm>> -> memref<128xi32, #tpu.memory_space<hbm>>
        tpu.wait_dma2 semaphore(%run_scoped3A : memref<!tpu.dma_semaphore, #tpu.memory_space<semaphore_mem>>) src(%dma_wait3A_144 : memref<128xi32, #tpu.memory_space<hbm>>) dst(%arg8 : memref<128xi32, #tpu.memory_space<vmem>>)
        tpu.yield
      }) : () -> ()
      "tpu.region"() ({
        %run_scoped3A = tpu.sem_alloc : memref<!tpu.dma_semaphore, #tpu.memory_space<semaphore_mem>>
        %dma_start3A_141 = tpu.memref_slice %arg5[%add3A_25] : memref<163840xi32, #tpu.memory_space<hbm>> -> memref<128xi32, #tpu.memory_space<hbm>>
        %dma_start3A_142 = tpu.memref_slice %arg5[%add3A_25] : memref<163840xi32, #tpu.memory_space<hbm>> -> memref<128xi32, #tpu.memory_space<hbm>>
        tpu.enqueue_dma source(%dma_start3A_142 : memref<128xi32, #tpu.memory_space<hbm>>) target(%arg9 : memref<128xi32, #tpu.memory_space<vmem>>) target_semaphore(%run_scoped3A : memref<!tpu.dma_semaphore, #tpu.memory_space<semaphore_mem>>)
        %dma_wait3A_143 = tpu.memref_slice %arg5[%add3A_25] : memref<163840xi32, #tpu.memory_space<hbm>> -> memref<128xi32, #tpu.memory_space<hbm>>
        %dma_wait3A_144 = tpu.memref_slice %arg5[%add3A_25] : memref<163840xi32, #tpu.memory_space<hbm>> -> memref<128xi32, #tpu.memory_space<hbm>>
        tpu.wait_dma2 semaphore(%run_scoped3A : memref<!tpu.dma_semaphore, #tpu.memory_space<semaphore_mem>>) src(%dma_wait3A_144 : memref<128xi32, #tpu.memory_space<hbm>>) dst(%arg9 : memref<128xi32, #tpu.memory_space<vmem>>)
        tpu.yield
      }) : () -> ()
      "tpu.region"() ({
        %run_scoped3A = tpu.sem_alloc : memref<!tpu.dma_semaphore, #tpu.memory_space<semaphore_mem>>
        %dma_start3A_141 = tpu.memref_slice %arg6[%add3A_25] : memref<163840xi32, #tpu.memory_space<hbm>> -> memref<128xi32, #tpu.memory_space<hbm>>
        %dma_start3A_142 = tpu.memref_slice %arg6[%add3A_25] : memref<163840xi32, #tpu.memory_space<hbm>> -> memref<128xi32, #tpu.memory_space<hbm>>
        tpu.enqueue_dma source(%dma_start3A_142 : memref<128xi32, #tpu.memory_space<hbm>>) target(%arg10 : memref<128xi32, #tpu.memory_space<vmem>>) target_semaphore(%run_scoped3A : memref<!tpu.dma_semaphore, #tpu.memory_space<semaphore_mem>>)
        %dma_wait3A_143 = tpu.memref_slice %arg6[%add3A_25] : memref<163840xi32, #tpu.memory_space<hbm>> -> memref<128xi32, #tpu.memory_space<hbm>>
        %dma_wait3A_144 = tpu.memref_slice %arg6[%add3A_25] : memref<163840xi32, #tpu.memory_space<hbm>> -> memref<128xi32, #tpu.memory_space<hbm>>
        tpu.wait_dma2 semaphore(%run_scoped3A : memref<!tpu.dma_semaphore, #tpu.memory_space<semaphore_mem>>) src(%dma_wait3A_144 : memref<128xi32, #tpu.memory_space<hbm>>) dst(%arg10 : memref<128xi32, #tpu.memory_space<vmem>>)
        tpu.yield
      }) : () -> ()
      %get3A = arith.constant 0 : index
      %get3A_26 = tpu.vector_load %arg8[%get3A] {strides = array<i32>} : memref<128xi32, #tpu.memory_space<vmem>>, vector<16xi32>,
      %get3A_27 = vector.shape_cast %get3A_26 : vector<16xi32> to vector<16xi32>
      %mul3A_28 = arith.constant 3 : i32
      %mul3A_29 = vector.broadcast %mul3A_28 : i32 to vector<16xi32>
      %mul3A_30 = arith.muli %get3A_27, %mul3A_29 : vector<16xi32>
      %get3A_31 = arith.constant 0 : index
      %get3A_32 = tpu.vector_load %arg9[%get3A_31] {strides = array<i32>} : memref<128xi32, #tpu.memory_space<vmem>>, vector<16xi32>,
      %get3A_33 = vector.shape_cast %get3A_32 : vector<16xi32> to vector<16xi32>
      %add3A_34 = arith.addi %mul3A_30, %get3A_33 : vector<16xi32>
      %swap3A = arith.constant 0 : index
      %swap3A_35 = tpu.vector_load %arg11[%swap3A] {strides = array<i32>} : memref<128xi32, #tpu.memory_space<vmem>>, vector<16xi32>,
      %swap3A_36 = vector.shape_cast %swap3A_35 : vector<16xi32> to vector<16xi32>
      %swap3A_37 = vector.shape_cast %add3A_34 : vector<16xi32> to vector<16xi32>
      tpu.vector_store %arg11[%swap3A], %swap3A_37 {strides = array<i32>} : memref<128xi32, #tpu.memory_space<vmem>>, vector<16xi32>,
      %get3A_38 = arith.constant 16 : index
      %get3A_39 = tpu.vector_load %arg8[%get3A_38] {strides = array<i32>} : memref<128xi32, #tpu.memory_space<vmem>>, vector<16xi32>,
      %get3A_40 = vector.shape_cast %get3A_39 : vector<16xi32> to vector<16xi32>
      %mul3A_41 = arith.constant 3 : i32
      %mul3A_42 = vector.broadcast %mul3A_41 : i32 to vector<16xi32>
      %mul3A_43 = arith.muli %get3A_40, %mul3A_42 : vector<16xi32>
      %get3A_44 = arith.constant 16 : index
      %get3A_45 = tpu.vector_load %arg9[%get3A_44] {strides = array<i32>} : memref<128xi32, #tpu.memory_space<vmem>>, vector<16xi32>,
      %get3A_46 = vector.shape_cast %get3A_45 : vector<16xi32> to vector<16xi32>
      %add3A_47 = arith.addi %mul3A_43, %get3A_46 : vector<16xi32>
      %swap3A_48 = arith.constant 16 : index
      %swap3A_49 = tpu.vector_load %arg11[%swap3A_48] {strides = array<i32>} : memref<128xi32, #tpu.memory_space<vmem>>, vector<16xi32>,
      %swap3A_50 = vector.shape_cast %swap3A_49 : vector<16xi32> to vector<16xi32>
      %swap3A_51 = vector.shape_cast %add3A_47 : vector<16xi32> to vector<16xi32>
      tpu.vector_store %arg11[%swap3A_48], %swap3A_51 {strides = array<i32>} : memref<128xi32, #tpu.memory_space<vmem>>, vector<16xi32>,
      %get3A_52 = arith.constant 32 : index
      %get3A_53 = tpu.vector_load %arg8[%get3A_52] {strides = array<i32>} : memref<128xi32, #tpu.memory_space<vmem>>, vector<16xi32>,
      %get3A_54 = vector.shape_cast %get3A_53 : vector<16xi32> to vector<16xi32>
      %mul3A_55 = arith.constant 3 : i32
      %mul3A_56 = vector.broadcast %mul3A_55 : i32 to vector<16xi32>
      %mul3A_57 = arith.muli %get3A_54, %mul3A_56 : vector<16xi32>
      %get3A_58 = arith.constant 32 : index
      %get3A_59 = tpu.vector_load %arg9[%get3A_58] {strides = array<i32>} : memref<128xi32, #tpu.memory_space<vmem>>, vector<16xi32>,
      %get3A_60 = vector.shape_cast %get3A_59 : vector<16xi32> to vector<16xi32>
      %add3A_61 = arith.addi %mul3A_57, %get3A_60 : vector<16xi32>
      %swap3A_62 = arith.constant 32 : index
      %swap3A_63 = tpu.vector_load %arg11[%swap3A_62] {strides = array<i32>} : memref<128xi32, #tpu.memory_space<vmem>>, vector<16xi32>,
      %swap3A_64 = vector.shape_cast %swap3A_63 : vector<16xi32> to vector<16xi32>
      %swap3A_65 = vector.shape_cast %add3A_61 : vector<16xi32> to vector<16xi32>
      tpu.vector_store %arg11[%swap3A_62], %swap3A_65 {strides = array<i32>} : memref<128xi32, #tpu.memory_space<vmem>>, vector<16xi32>,
      %get3A_66 = arith.constant 48 : index
      %get3A_67 = tpu.vector_load %arg8[%get3A_66] {strides = array<i32>} : memref<128xi32, #tpu.memory_space<vmem>>, vector<16xi32>,
      %get3A_68 = vector.shape_cast %get3A_67 : vector<16xi32> to vector<16xi32>
      %mul3A_69 = arith.constant 3 : i32
      %mul3A_70 = vector.broadcast %mul3A_69 : i32 to vector<16xi32>
      %mul3A_71 = arith.muli %get3A_68, %mul3A_70 : vector<16xi32>
      %get3A_72 = arith.constant 48 : index
      %get3A_73 = tpu.vector_load %arg9[%get3A_72] {strides = array<i32>} : memref<128xi32, #tpu.memory_space<vmem>>, vector<16xi32>,
      %get3A_74 = vector.shape_cast %get3A_73 : vector<16xi32> to vector<16xi32>
      %add3A_75 = arith.addi %mul3A_71, %get3A_74 : vector<16xi32>
      %swap3A_76 = arith.constant 48 : index
      %swap3A_77 = tpu.vector_load %arg11[%swap3A_76] {strides = array<i32>} : memref<128xi32, #tpu.memory_space<vmem>>, vector<16xi32>,
      %swap3A_78 = vector.shape_cast %swap3A_77 : vector<16xi32> to vector<16xi32>
      %swap3A_79 = vector.shape_cast %add3A_75 : vector<16xi32> to vector<16xi32>
      tpu.vector_store %arg11[%swap3A_76], %swap3A_79 {strides = array<i32>} : memref<128xi32, #tpu.memory_space<vmem>>, vector<16xi32>,
      %get3A_80 = arith.constant 64 : index
      %get3A_81 = tpu.vector_load %arg8[%get3A_80] {strides = array<i32>} : memref<128xi32, #tpu.memory_space<vmem>>, vector<16xi32>,
      %get3A_82 = vector.shape_cast %get3A_81 : vector<16xi32> to vector<16xi32>
      %mul3A_83 = arith.constant 3 : i32
      %mul3A_84 = vector.broadcast %mul3A_83 : i32 to vector<16xi32>
      %mul3A_85 = arith.muli %get3A_82, %mul3A_84 : vector<16xi32>
      %get3A_86 = arith.constant 64 : index
      %get3A_87 = tpu.vector_load %arg9[%get3A_86] {strides = array<i32>} : memref<128xi32, #tpu.memory_space<vmem>>, vector<16xi32>,
      %get3A_88 = vector.shape_cast %get3A_87 : vector<16xi32> to vector<16xi32>
      %add3A_89 = arith.addi %mul3A_85, %get3A_88 : vector<16xi32>
      %swap3A_90 = arith.constant 64 : index
      %swap3A_91 = tpu.vector_load %arg11[%swap3A_90] {strides = array<i32>} : memref<128xi32, #tpu.memory_space<vmem>>, vector<16xi32>,
      %swap3A_92 = vector.shape_cast %swap3A_91 : vector<16xi32> to vector<16xi32>
      %swap3A_93 = vector.shape_cast %add3A_89 : vector<16xi32> to vector<16xi32>
      tpu.vector_store %arg11[%swap3A_90], %swap3A_93 {strides = array<i32>} : memref<128xi32, #tpu.memory_space<vmem>>, vector<16xi32>,
      %get3A_94 = arith.constant 80 : index
      %get3A_95 = tpu.vector_load %arg8[%get3A_94] {strides = array<i32>} : memref<128xi32, #tpu.memory_space<vmem>>, vector<16xi32>,
      %get3A_96 = vector.shape_cast %get3A_95 : vector<16xi32> to vector<16xi32>
      %mul3A_97 = arith.constant 3 : i32
      %mul3A_98 = vector.broadcast %mul3A_97 : i32 to vector<16xi32>
      %mul3A_99 = arith.muli %get3A_96, %mul3A_98 : vector<16xi32>
      %get3A_100 = arith.constant 80 : index
      %get3A_101 = tpu.vector_load %arg9[%get3A_100] {strides = array<i32>} : memref<128xi32, #tpu.memory_space<vmem>>, vector<16xi32>,
      %get3A_102 = vector.shape_cast %get3A_101 : vector<16xi32> to vector<16xi32>
      %add3A_103 = arith.addi %mul3A_99, %get3A_102 : vector<16xi32>
      %swap3A_104 = arith.constant 80 : index
      %swap3A_105 = tpu.vector_load %arg11[%swap3A_104] {strides = array<i32>} : memref<128xi32, #tpu.memory_space<vmem>>, vector<16xi32>,
      %swap3A_106 = vector.shape_cast %swap3A_105 : vector<16xi32> to vector<16xi32>
      %swap3A_107 = vector.shape_cast %add3A_103 : vector<16xi32> to vector<16xi32>
      tpu.vector_store %arg11[%swap3A_104], %swap3A_107 {strides = array<i32>} : memref<128xi32, #tpu.memory_space<vmem>>, vector<16xi32>,
      %get3A_108 = arith.constant 96 : index
      %get3A_109 = tpu.vector_load %arg8[%get3A_108] {strides = array<i32>} : memref<128xi32, #tpu.memory_space<vmem>>, vector<16xi32>,
      %get3A_110 = vector.shape_cast %get3A_109 : vector<16xi32> to vector<16xi32>
      %mul3A_111 = arith.constant 3 : i32
      %mul3A_112 = vector.broadcast %mul3A_111 : i32 to vector<16xi32>
      %mul3A_113 = arith.muli %get3A_110, %mul3A_112 : vector<16xi32>
      %get3A_114 = arith.constant 96 : index
      %get3A_115 = tpu.vector_load %arg9[%get3A_114] {strides = array<i32>} : memref<128xi32, #tpu.memory_space<vmem>>, vector<16xi32>,
      %get3A_116 = vector.shape_cast %get3A_115 : vector<16xi32> to vector<16xi32>
      %add3A_117 = arith.addi %mul3A_113, %get3A_116 : vector<16xi32>
      %swap3A_118 = arith.constant 96 : index
      %swap3A_119 = tpu.vector_load %arg11[%swap3A_118] {strides = array<i32>} : memref<128xi32, #tpu.memory_space<vmem>>, vector<16xi32>,
      %swap3A_120 = vector.shape_cast %swap3A_119 : vector<16xi32> to vector<16xi32>
      %swap3A_121 = vector.shape_cast %add3A_117 : vector<16xi32> to vector<16xi32>
      tpu.vector_store %arg11[%swap3A_118], %swap3A_121 {strides = array<i32>} : memref<128xi32, #tpu.memory_space<vmem>>, vector<16xi32>,
      %get3A_122 = arith.constant 112 : index
      %get3A_123 = tpu.vector_load %arg8[%get3A_122] {strides = array<i32>} : memref<128xi32, #tpu.memory_space<vmem>>, vector<16xi32>,
      %get3A_124 = vector.shape_cast %get3A_123 : vector<16xi32> to vector<16xi32>
      %mul3A_125 = arith.constant 3 : i32
      %mul3A_126 = vector.broadcast %mul3A_125 : i32 to vector<16xi32>
      %mul3A_127 = arith.muli %get3A_124, %mul3A_126 : vector<16xi32>
      %get3A_128 = arith.constant 112 : index
      %get3A_129 = tpu.vector_load %arg9[%get3A_128] {strides = array<i32>} : memref<128xi32, #tpu.memory_space<vmem>>, vector<16xi32>,
      %get3A_130 = vector.shape_cast %get3A_129 : vector<16xi32> to vector<16xi32>
      %add3A_131 = arith.addi %mul3A_127, %get3A_130 : vector<16xi32>
      %swap3A_132 = arith.constant 112 : index
      %swap3A_133 = tpu.vector_load %arg11[%swap3A_132] {strides = array<i32>} : memref<128xi32, #tpu.memory_space<vmem>>, vector<16xi32>,
      %swap3A_134 = vector.shape_cast %swap3A_133 : vector<16xi32> to vector<16xi32>
      %swap3A_135 = vector.shape_cast %add3A_131 : vector<16xi32> to vector<16xi32>
      tpu.vector_store %arg11[%swap3A_132], %swap3A_135 {strides = array<i32>} : memref<128xi32, #tpu.memory_space<vmem>>, vector<16xi32>,
      %dma_start3A = arith.constant 0 : i32
      %dma_start3A_136 = arith.constant 0 : i32
      %dma_start3A_137 = tpu.memref_slice %arg2[%dma_start3A, %dma_start3A_136] : memref<30720x128xf32, #tpu.memory_space<hbm>> -> memref<30720x128xf32, #tpu.memory_space<hbm>>
      tpu.enqueue_indirect_dma source(%dma_start3A_137 : memref<30720x128xf32, #tpu.memory_space<hbm>>) target(%arg12 : memref<128x128xf32, #tpu.memory_space<vmem>>) offsets(%arg11 : memref<128xi32, #tpu.memory_space<vmem>>) semaphore(%arg14 : memref<!tpu.dma_semaphore, #tpu.memory_space<semaphore_mem>>)
      %dma_wait3A = arith.constant 0 : i32
      %dma_wait3A_138 = arith.constant 0 : i32
      %dma_wait3A_139 = tpu.memref_slice %arg2[%dma_wait3A, %dma_wait3A_138] : memref<30720x128xf32, #tpu.memory_space<hbm>> -> memref<30720x128xf32, #tpu.memory_space<hbm>>
      tpu.wait_indirect_dma semaphore(%arg14 : memref<!tpu.dma_semaphore, #tpu.memory_space<semaphore_mem>>) src(%dma_wait3A_139 : memref<30720x128xf32, #tpu.memory_space<hbm>>) dst(%arg12 : memref<128x128xf32, #tpu.memory_space<vmem>>)
      "tpu.region"() ({
        %run_scoped3A = tpu.sem_alloc : memref<!tpu.dma_semaphore, #tpu.memory_space<semaphore_mem>>
        %dma_start3A_141 = arith.constant 0 : i32
        %dma_start3A_142 = arith.constant 0 : i32
        %dma_start3A_143 = tpu.memref_slice %arg13[%dma_start3A_141, %dma_start3A_142] : memref<10240x128xf32, #tpu.memory_space<vmem_shared>> -> memref<10240x128xf32, #tpu.memory_space<vmem_shared>>
        tpu.enqueue_indirect_dma source(%arg12 : memref<128x128xf32, #tpu.memory_space<vmem>>) target(%dma_start3A_143 : memref<10240x128xf32, #tpu.memory_space<vmem_shared>>) offsets(%arg10 : memref<128xi32, #tpu.memory_space<vmem>>) semaphore(%run_scoped3A : memref<!tpu.dma_semaphore, #tpu.memory_space<semaphore_mem>>) {add = true}
        %dma_wait3A_144 = arith.constant 0 : i32
        %dma_wait3A_145 = arith.constant 0 : i32
        %dma_wait3A_146 = tpu.memref_slice %arg13[%dma_wait3A_144, %dma_wait3A_145] : memref<10240x128xf32, #tpu.memory_space<vmem_shared>> -> memref<10240x128xf32, #tpu.memory_space<vmem_shared>>
        tpu.wait_indirect_dma semaphore(%run_scoped3A : memref<!tpu.dma_semaphore, #tpu.memory_space<semaphore_mem>>) src(%arg12 : memref<128x128xf32, #tpu.memory_space<vmem>>) dst(%dma_wait3A_146 : memref<10240x128xf32, #tpu.memory_space<vmem_shared>>)
        tpu.yield
      }) : () -> ()
      %scan3A_140 = arith.constant 0 : i32
      scf.yield %scan3A_140 : i32
    }
    %scan3A_13 = arith.constant 40 : i32
    %barrier3A_14 = arith.constant 0 : index
    tpu.barrier barrier_id(%barrier3A_14)
    %mul3A_15 = arith.constant 640 : i32
    %mul3A_16 = arith.muli %arg1, %mul3A_15 : i32
    %mul3A_17 = arith.constant 640 : i32
    %mul3A_18 = arith.muli %arg1, %mul3A_17 : i32
    "tpu.region"() ({
      %run_scoped3A = tpu.sem_alloc : memref<!tpu.dma_semaphore, #tpu.memory_space<semaphore_mem>>
      %dma_start3A = arith.constant 0 : i32
      %dma_start3A_19 = tpu.memref_slice %arg7[%arg0, %mul3A_18, %dma_start3A] : memref<2x10240x128xf32, #tpu.memory_space<hbm>> -> memref<1x640x128xf32, #tpu.memory_space<hbm>>
      %dma_start3A_20 = tpu.memref_squeeze %dma_start3A_19 : memref<1x640x128xf32, #tpu.memory_space<hbm>> -> memref<640x128xf32, #tpu.memory_space<hbm>>
      %dma_start3A_21 = arith.constant 0 : i32
      %dma_start3A_22 = tpu.memref_slice %arg13[%mul3A_16, %dma_start3A_21] : memref<10240x128xf32, #tpu.memory_space<vmem_shared>> -> memref<640x128xf32, #tpu.memory_space<vmem_shared>>
      tpu.enqueue_dma source(%dma_start3A_22 : memref<640x128xf32, #tpu.memory_space<vmem_shared>>) target(%dma_start3A_20 : memref<640x128xf32, #tpu.memory_space<hbm>>) target_semaphore(%run_scoped3A : memref<!tpu.dma_semaphore, #tpu.memory_space<semaphore_mem>>)
      %dma_wait3A = arith.constant 0 : i32
      %dma_wait3A_23 = tpu.memref_slice %arg7[%arg0, %mul3A_18, %dma_wait3A] : memref<2x10240x128xf32, #tpu.memory_space<hbm>> -> memref<1x640x128xf32, #tpu.memory_space<hbm>>
      %dma_wait3A_24 = tpu.memref_squeeze %dma_wait3A_23 : memref<1x640x128xf32, #tpu.memory_space<hbm>> -> memref<640x128xf32, #tpu.memory_space<hbm>>
      %dma_wait3A_25 = arith.constant 0 : i32
      %dma_wait3A_26 = tpu.memref_slice %arg13[%mul3A_16, %dma_wait3A_25] : memref<10240x128xf32, #tpu.memory_space<vmem_shared>> -> memref<640x128xf32, #tpu.memory_space<vmem_shared>>
      tpu.wait_dma2 semaphore(%run_scoped3A : memref<!tpu.dma_semaphore, #tpu.memory_space<semaphore_mem>>) src(%dma_wait3A_26 : memref<640x128xf32, #tpu.memory_space<vmem_shared>>) dst(%dma_wait3A_24 : memref<640x128xf32, #tpu.memory_space<hbm>>)
      tpu.yield
    }) : () -> ()
    return
  }
}

module attributes {stable_mosaic.version = 14 : i64} {
  func.func @_transform_body(%arg0: i32, %arg1: memref<1024x128xf32, #tpu.memory_space<vmem>>, %arg2: memref<128x384xf32, #tpu.memory_space<vmem>>, %arg3: memref<1x384xf32, #tpu.memory_space<vmem>>, %arg4: memref<1024x384xf32, #tpu.memory_space<vmem>>) attributes {dimension_semantics = [#tpu.dimension_semantics<arbitrary>], iteration_bounds = array<i64: 10>, scalar_prefetch = 0 : i64, scratch_operands = 0 : i64, tpu.core_type = #tpu.core_type<tc>, window_params = [{transform_indices = @transform_0, window_bounds = array<i64: 1024, 128>}, {pipeline_mode = #tpu.pipeline_mode<synchronous>, transform_indices = @transform_1, window_bounds = array<i64: 128, 384>}, {pipeline_mode = #tpu.pipeline_mode<synchronous>, transform_indices = @transform_2, window_bounds = array<i64: 1, 384>}, {transform_indices = @transform_3, window_bounds = array<i64: 1024, 384>}]} {
    %get3A = arith.constant 0 : index
    %get3A_0 = arith.constant 0 : index
    %get3A_1 = vector.load %arg1[%get3A, %get3A_0] : memref<1024x128xf32, #tpu.memory_space<vmem>>, vector<1024x128xf32>
    %get3A_2 = arith.constant 0 : index
    %get3A_3 = arith.constant 0 : index
    %get3A_4 = vector.load %arg2[%get3A_2, %get3A_3] : memref<128x384xf32, #tpu.memory_space<vmem>>, vector<128x384xf32>
    %dot_general3A = arith.constant dense<0.000000e+00> : vector<1024x384xf32>
    %dot_general3A_5 = tpu.matmul %get3A_1, %get3A_4, %dot_general3A {dimension_numbers = #tpu.dot_dimension_numbers<[1], [0], [0], [1], [0, 0, 1, 1], [], []>, transpose_lhs_hint = false} : vector<1024x128xf32>, vector<128x384xf32>, vector<1024x384xf32> -> vector<1024x384xf32>
    %get3A_6 = arith.constant 0 : index
    %get3A_7 = arith.constant 0 : index
    %get3A_8 = vector.load %arg3[%get3A_6, %get3A_7] : memref<1x384xf32, #tpu.memory_space<vmem>>, vector<1x384xf32>
    %add3A = vector.broadcast %get3A_8 : vector<1x384xf32> to vector<1024x384xf32>
    %add3A_9 = arith.addf %dot_general3A_5, %add3A : vector<1024x384xf32>
    %swap3A = arith.constant 0 : index
    %swap3A_10 = arith.constant 0 : index
    %swap3A_11 = vector.load %arg4[%swap3A, %swap3A_10] : memref<1024x384xf32, #tpu.memory_space<vmem>>, vector<1024x384xf32>
    tpu.vector_store %arg4[%swap3A, %swap3A_10], %add3A_9 {strides = array<i32>} : memref<1024x384xf32, #tpu.memory_space<vmem>>, vector<1024x384xf32>,
    return
  }
  func.func @transform_0(%arg0: i32) -> (i32, i32) {
    %c0_i32 = arith.constant 0 : i32
    %c0_i32_0 = arith.constant 0 : i32
    return %arg0, %c0_i32 : i32, i32
  }
  func.func @transform_1(%arg0: i32) -> (i32, i32) {
    %c0_i32 = arith.constant 0 : i32
    %c0_i32_0 = arith.constant 0 : i32
    %c0_i32_1 = arith.constant 0 : i32
    return %c0_i32, %c0_i32_0 : i32, i32
  }
  func.func @transform_2(%arg0: i32) -> (i32, i32) {
    %c0_i32 = arith.constant 0 : i32
    %c0_i32_0 = arith.constant 0 : i32
    %c0_i32_1 = arith.constant 0 : i32
    return %c0_i32, %c0_i32_0 : i32, i32
  }
  func.func @transform_3(%arg0: i32) -> (i32, i32) {
    %c0_i32 = arith.constant 0 : i32
    %c0_i32_0 = arith.constant 0 : i32
    return %arg0, %c0_i32 : i32, i32
  }
}

module attributes {stable_mosaic.version = 14 : i64} {
  func.func @_gru_body(%arg0: i32, %arg1: memref<2x1024x128xf32, #tpu.memory_space<vmem>>, %arg2: memref<1024x128xf32, #tpu.memory_space<vmem>>, %arg3: memref<128x384xf32, #tpu.memory_space<vmem>>, %arg4: memref<128x384xf32, #tpu.memory_space<vmem>>, %arg5: memref<1x384xf32, #tpu.memory_space<vmem>>, %arg6: memref<1024x128xf32, #tpu.memory_space<vmem>>) attributes {dimension_semantics = [#tpu.dimension_semantics<arbitrary>], iteration_bounds = array<i64: 10>, scalar_prefetch = 0 : i64, scratch_operands = 0 : i64, tpu.core_type = #tpu.core_type<tc>, window_params = [{transform_indices = @transform_0, window_bounds = array<i64: 2, 1024, 128>}, {transform_indices = @transform_1, window_bounds = array<i64: 1024, 128>}, {pipeline_mode = #tpu.pipeline_mode<synchronous>, transform_indices = @transform_2, window_bounds = array<i64: 128, 384>}, {pipeline_mode = #tpu.pipeline_mode<synchronous>, transform_indices = @transform_3, window_bounds = array<i64: 128, 384>}, {pipeline_mode = #tpu.pipeline_mode<synchronous>, transform_indices = @transform_4, window_bounds = array<i64: 1, 384>}, {transform_indices = @transform_5, window_bounds = array<i64: 1024, 128>}]} {
    %get3A = arith.constant 0 : index
    %get3A_0 = arith.constant 0 : index
    %get3A_1 = arith.constant 0 : index
    %get3A_2 = vector.load %arg1[%get3A, %get3A_0, %get3A_1] : memref<2x1024x128xf32, #tpu.memory_space<vmem>>, vector<1x1024x128xf32>
    %get3A_3 = vector.shape_cast %get3A_2 : vector<1x1024x128xf32> to vector<1024x128xf32>
    %get3A_4 = arith.constant 1 : index
    %get3A_5 = arith.constant 0 : index
    %get3A_6 = arith.constant 0 : index
    %get3A_7 = vector.load %arg1[%get3A_4, %get3A_5, %get3A_6] : memref<2x1024x128xf32, #tpu.memory_space<vmem>>, vector<1x1024x128xf32>
    %get3A_8 = vector.shape_cast %get3A_7 : vector<1x1024x128xf32> to vector<1024x128xf32>
    %add3A = arith.addf %get3A_3, %get3A_8 : vector<1024x128xf32>
    %get3A_9 = arith.constant 0 : index
    %get3A_10 = arith.constant 0 : index
    %get3A_11 = vector.load %arg2[%get3A_9, %get3A_10] : memref<1024x128xf32, #tpu.memory_space<vmem>>, vector<1024x128xf32>
    %get3A_12 = arith.constant 0 : index
    %get3A_13 = arith.constant 0 : index
    %get3A_14 = vector.load %arg3[%get3A_12, %get3A_13] : memref<128x384xf32, #tpu.memory_space<vmem>>, vector<128x384xf32>
    %dot_general3A = arith.constant dense<0.000000e+00> : vector<1024x384xf32>
    %dot_general3A_15 = tpu.matmul %add3A, %get3A_14, %dot_general3A {dimension_numbers = #tpu.dot_dimension_numbers<[1], [0], [0], [1], [0, 0, 1, 1], [], []>, transpose_lhs_hint = false} : vector<1024x128xf32>, vector<128x384xf32>, vector<1024x384xf32> -> vector<1024x384xf32>
    %get3A_16 = arith.constant 0 : index
    %get3A_17 = arith.constant 0 : index
    %get3A_18 = vector.load %arg5[%get3A_16, %get3A_17] : memref<1x384xf32, #tpu.memory_space<vmem>>, vector<1x384xf32>
    %add3A_19 = vector.broadcast %get3A_18 : vector<1x384xf32> to vector<1024x384xf32>
    %add3A_20 = arith.addf %dot_general3A_15, %add3A_19 : vector<1024x384xf32>
    %get3A_21 = arith.constant 0 : index
    %get3A_22 = arith.constant 0 : index
    %get3A_23 = vector.load %arg4[%get3A_21, %get3A_22] : memref<128x384xf32, #tpu.memory_space<vmem>>, vector<128x384xf32>
    %dot_general3A_24 = arith.constant dense<0.000000e+00> : vector<1024x384xf32>
    %dot_general3A_25 = tpu.matmul %get3A_11, %get3A_23, %dot_general3A_24 {dimension_numbers = #tpu.dot_dimension_numbers<[1], [0], [0], [1], [0, 0, 1, 1], [], []>, transpose_lhs_hint = false} : vector<1024x128xf32>, vector<128x384xf32>, vector<1024x384xf32> -> vector<1024x384xf32>
    %slice3A = vector.extract_strided_slice %add3A_20 {offsets = [0, 0], sizes = [1024, 128], strides = [1, 1]} : vector<1024x384xf32> to vector<1024x128xf32>
    %slice3A_26 = vector.extract_strided_slice %dot_general3A_25 {offsets = [0, 0], sizes = [1024, 128], strides = [1, 1]} : vector<1024x384xf32> to vector<1024x128xf32>
    %add3A_27 = arith.addf %slice3A, %slice3A_26 : vector<1024x128xf32>
    %logistic3A = arith.negf %add3A_27 : vector<1024x128xf32>
    %logistic3A_28 = math.exp %logistic3A : vector<1024x128xf32>
    %logistic3A_29 = arith.constant 1.000000e+00 : f32
    %logistic3A_30 = vector.broadcast %logistic3A_29 : f32 to vector<1024x128xf32>
    %logistic3A_31 = arith.addf %logistic3A_30, %logistic3A_28 : vector<1024x128xf32>
    %logistic3A_32 = arith.divf %logistic3A_30, %logistic3A_31 : vector<1024x128xf32>
    %slice3A_33 = vector.extract_strided_slice %add3A_20 {offsets = [0, 128], sizes = [1024, 128], strides = [1, 1]} : vector<1024x384xf32> to vector<1024x128xf32>
    %slice3A_34 = vector.extract_strided_slice %dot_general3A_25 {offsets = [0, 128], sizes = [1024, 128], strides = [1, 1]} : vector<1024x384xf32> to vector<1024x128xf32>
    %add3A_35 = arith.addf %slice3A_33, %slice3A_34 : vector<1024x128xf32>
    %logistic3A_36 = arith.negf %add3A_35 : vector<1024x128xf32>
    %logistic3A_37 = math.exp %logistic3A_36 : vector<1024x128xf32>
    %logistic3A_38 = arith.constant 1.000000e+00 : f32
    %logistic3A_39 = vector.broadcast %logistic3A_38 : f32 to vector<1024x128xf32>
    %logistic3A_40 = arith.addf %logistic3A_39, %logistic3A_37 : vector<1024x128xf32>
    %logistic3A_41 = arith.divf %logistic3A_39, %logistic3A_40 : vector<1024x128xf32>
    %slice3A_42 = vector.extract_strided_slice %add3A_20 {offsets = [0, 256], sizes = [1024, 128], strides = [1, 1]} : vector<1024x384xf32> to vector<1024x128xf32>
    %slice3A_43 = vector.extract_strided_slice %dot_general3A_25 {offsets = [0, 256], sizes = [1024, 128], strides = [1, 1]} : vector<1024x384xf32> to vector<1024x128xf32>
    %mul3A = arith.mulf %logistic3A_41, %slice3A_43 : vector<1024x128xf32>
    %add3A_44 = arith.addf %slice3A_42, %mul3A : vector<1024x128xf32>
    %tanh3A = math.tanh %add3A_44 : vector<1024x128xf32>
    %mul3A_45 = arith.mulf %logistic3A_32, %get3A_11 : vector<1024x128xf32>
    %sub3A = arith.constant 1.000000e+00 : f32
    %sub3A_46 = vector.broadcast %sub3A : f32 to vector<1024x128xf32>
    %sub3A_47 = arith.subf %sub3A_46, %logistic3A_32 : vector<1024x128xf32>
    %mul3A_48 = arith.mulf %sub3A_47, %tanh3A : vector<1024x128xf32>
    %add3A_49 = arith.addf %mul3A_45, %mul3A_48 : vector<1024x128xf32>
    %swap3A = arith.constant 0 : index
    %swap3A_50 = arith.constant 0 : index
    %swap3A_51 = vector.load %arg6[%swap3A, %swap3A_50] : memref<1024x128xf32, #tpu.memory_space<vmem>>, vector<1024x128xf32>
    tpu.vector_store %arg6[%swap3A, %swap3A_50], %add3A_49 {strides = array<i32>} : memref<1024x128xf32, #tpu.memory_space<vmem>>, vector<1024x128xf32>,
    return
  }
  func.func @transform_0(%arg0: i32) -> (i32, i32, i32) {
    %c0_i32 = arith.constant 0 : i32
    %c0_i32_0 = arith.constant 0 : i32
    %c0_i32_1 = arith.constant 0 : i32
    return %c0_i32, %arg0, %c0_i32_0 : i32, i32, i32
  }
  func.func @transform_1(%arg0: i32) -> (i32, i32) {
    %c0_i32 = arith.constant 0 : i32
    %c0_i32_0 = arith.constant 0 : i32
    return %arg0, %c0_i32 : i32, i32
  }
  func.func @transform_2(%arg0: i32) -> (i32, i32) {
    %c0_i32 = arith.constant 0 : i32
    %c0_i32_0 = arith.constant 0 : i32
    %c0_i32_1 = arith.constant 0 : i32
    return %c0_i32, %c0_i32_0 : i32, i32
  }
  func.func @transform_3(%arg0: i32) -> (i32, i32) {
    %c0_i32 = arith.constant 0 : i32
    %c0_i32_0 = arith.constant 0 : i32
    %c0_i32_1 = arith.constant 0 : i32
    return %c0_i32, %c0_i32_0 : i32, i32
  }
  func.func @transform_4(%arg0: i32) -> (i32, i32) {
    %c0_i32 = arith.constant 0 : i32
    %c0_i32_0 = arith.constant 0 : i32
    %c0_i32_1 = arith.constant 0 : i32
    return %c0_i32, %c0_i32_0 : i32, i32
  }
  func.func @transform_5(%arg0: i32) -> (i32, i32) {
    %c0_i32 = arith.constant 0 : i32
    %c0_i32_0 = arith.constant 0 : i32
    return %arg0, %c0_i32 : i32, i32
  }
}

</mosaic_0001>

<sc_bundles>
// kernel: kernel.12.cloned.1.call-start
scs
__scs_entry_jumppad:
0x0: {  	(pc) =	sbr.rel $0x88, $3  }
0x1: {  	(tag) =	ssettag $0x0;
	lr =	simm.s32 $0x1  }
0x2: {  	[smem:$0x3F98] =	sst lr;
	_ =	strace $0xD0000000  }
0x3: {  	_ = 	snop  }
0x4: {  	_ = 	snop  }
0x5: {  	_ = 	snop  }
0x6: {  	_ = 	snop  }
0x7: {  	_ = 	snop  }
__scs_overlays_trampoline_lowered:
0x8: {  	[smem:$0x3FA7] =	sst s0  }
0x9: {  	[smem:$0x3FA8] =	sst s1  }
0xa: {  	[smem:$0x3FA9] =	sst s2  }
0xb: {  	[smem:$0x3FAA] =	sst s3  }
0xc: {  	[smem:$0x3FAB] =	sst s4  }
0xd: {  	[smem:$0x3FAC] =	sst s5  }
0xe: {  	[smem:$0x3FAD] =	sst s6  }
0xf: {  	[smem:$0x3FAE] =	sst s7  }
0x10: {  	[smem:$0x3FAF] =	sst s8  }
0x11: {  	[smem:$0x3FB0] =	sst s9;
	s0 =	simm.s32 @!p0 $0x0  }
0x12: {  	s1 =	sld [smem:$0x3F96];
	s0 =	simm.s32 @p0 $0x1  }
0x13: {  	[smem:$0x3FB1] =	sst s0;
	s0 =	simm.s32 @!p1 $0x0  }
0x14: {  	s2 =	sld [smem:$0x3F95];
	s0 =	simm.s32 @p1 $0x1  }
0x15: {  	[smem:$0x3FB2] =	sst s0;
	s0 =	simm.s32 @!p2 $0x0  }
0x16: {  	s3 =	sld [smem:$0x3FDB];
	s0 =	simm.s32 @p2 $0x1  }
0x17: {  	s4 =	simm.s32 $0x1BF5;
	[smem:$0x3FB4] =	sst s0  }
0x18: {  	s0 =	sld [smem:$0x3F97];
	_ =	swait.ge [sflag:s4], $0x0  }
0x19: {  	s7 =	sld [smem:$0x3F98]  }
0x1a: {  	s8 =	sadd.s32 $0xFFFFE003, lr  }
0x1b: {  	s9 =	sadd.s32 $0xFFFFFEF7, lr;
	s5 =	simm.s32 $0xFFFFFFFF;
	p2 =	slt.u32 s8, $0xFFFFF086  }
0x1c: {  	p1 =	slt.u32 s9, $0xF7A;
	s5 =	simm.s32 @!p2 $0x0  }
0x1d: {  	s5 =	simm.s32 @p1 $0x1;
	p0 =	seq.s32 s7, s2  }
0x1e: {  	s7 =	smul.u32 @!p0 $0xF7A, s2;
	p2 =	seq.s32 @!p0 s5, $0x0  }
0x1f: {  	s9 =	smul.u32 $0xF7A, s1;
	s8 =	simm.s32 @!p0 $0x1BF5;
	p2 =	por !p2, p0  }
0x20: {  	[sflag:s8] =	ssyncset.s32 @!p0 $0xFFFFF086;
	s6 =	sadd.s32 @!p0 s3, s7;
	s7 =	simm.s32 @!p0 $0x108  }
0x21: {  	s3 =	sadd.s32 s3, s9;
	s6 =	sadd.s32 @!p0 $0x88, s6;
	s7 =	simm.s32 @p2 $0x1082  }
0x22: {  	[simem:s7], [sflag:s8] =	dma.local @!p0 [hbm:s6], $0xF7A  }
0x23: {  	s9 =	sor.u32 $0xD0000000, s2;
	s6 =	simm.s32 $0x108;
	_ =	swait.ge @!p0 [sflag:s8], $0x0  }
0x24: {  	s3 =	sadd.s32 $0x88, s3;
	s6 =	simm.s32 @!p1 $0x1082;
	[sflag:s4] =	ssyncset.s32 $0xFFFFF086  }
0x25: {  	[simem:s6], [sflag:s4] =	dma.local [hbm:s3], $0xF7A  }
0x26: {  	[smem:$0x3F98] =	sst s1;
	(tag) =	ssettag s2;
	_ =	strace s9  }
0x27: {  	s1 =	sld [smem:$0x3FA8]  }
0x28: {  	s2 =	sld [smem:$0x3FA9]  }
0x29: {  	s4 =	sld [smem:$0x3FAB]  }
0x2a: {  	p0 =	seq.s32 s5, $0x0;
	s5 =	sld [smem:$0x3FAC]  }
0x2b: {  	s6 =	sld [smem:$0x3FAD]  }
0x2c: {  	s7 =	sld [smem:$0x3FAE]  }
0x2d: {  	s3 =	simm.s32 $0x108;
	s8 =	sld [smem:$0x3FAF]  }
0x2e: {  	s3 =	simm.s32 @!p0 $0x1082;
	s9 =	sld [smem:$0x3FB0]  }
0x2f: {  	lr =	sadd.s32 s0, s3;
	s0 =	sld [smem:$0x3FA7]  }
0x30: {  	s3 =	sld [smem:$0x3FAA]  }
0x31: {  	[smem:$0x3FB3] =	sst s10  }
0x32: {  	s10 =	sld [smem:$0x3FB1];
	_ =	sdelay $0x3  }
0x33: {  	p0 =	seq.s32 s10, $0x1;
	s10 =	sld [smem:$0x3FB3];
	_ =	sdelay $0x3  }
0x34: {  	[smem:$0x3FB3] =	sst s10  }
0x35: {  	s10 =	sld [smem:$0x3FB2];
	_ =	sdelay $0x3  }
0x36: {  	p1 =	seq.s32 s10, $0x1;
	s10 =	sld [smem:$0x3FB3];
	_ =	sdelay $0x3  }
0x37: {  	[smem:$0x3FB3] =	sst s10  }
0x38: {  	s10 =	sld [smem:$0x3FB4]  }
0x39: {  	_ = 	snop;
	(pc) =	sbr.ind lr, $3  }
0x3a: {  	_ = 	snop  }
0x3b: {  	_ = 	snop  }
0x3c: {  	p2 =	seq.s32 s10, $0x1;
	s10 =	sld [smem:$0x3FB3]  }
0x3d: {  	_ =	shalt  }
0x3e: {  	_ =	shalt  }
0x3f: {  	_ =	shalt  }
0x40: {  	_ =	shalt  }
0x41: {  	_ =	shalt  }
0x42: {  	_ =	shalt  }
0x43: {  	_ =	shalt  }
0x44: {  	_ =	shalt  }
0x45: {  	_ =	shalt  }
0x46: {  	_ =	shalt  }
0x47: {  	_ =	shalt  }
0x48: {  	_ =	shalt  }
0x49: {  	_ =	shalt  }
0x4a: {  	_ =	shalt  }
0x4b: {  	_ =	shalt  }
0x4c: {  	_ =	shalt  }
0x4d: {  	_ =	shalt  }
0x4e: {  	_ =	shalt  }
0x4f: {  	_ =	shalt  }
0x50: {  	_ =	shalt  }
0x51: {  	_ =	shalt  }
0x52: {  	_ =	shalt  }
0x53: {  	_ =	shalt  }
0x54: {  	_ =	shalt  }
0x55: {  	_ =	shalt  }
0x56: {  	_ =	shalt  }
0x57: {  	_ =	shalt  }
0x58: {  	_ =	shalt  }
0x59: {  	_ =	shalt  }
0x5a: {  	_ =	shalt  }
0x5b: {  	_ =	shalt  }
0x5c: {  	_ =	shalt  }
0x5d: {  	_ =	shalt  }
0x5e: {  	_ =	shalt  }
0x5f: {  	_ =	shalt  }
0x60: {  	_ =	shalt  }
0x61: {  	_ =	shalt  }
0x62: {  	_ =	shalt  }
0x63: {  	_ =	shalt  }
0x64: {  	_ =	shalt  }
0x65: {  	_ =	shalt  }
0x66: {  	_ =	shalt  }
0x67: {  	_ =	shalt  }
0x68: {  	_ =	shalt  }
0x69: {  	_ =	shalt  }
0x6a: {  	_ =	shalt  }
0x6b: {  	_ =	shalt  }
0x6c: {  	_ =	shalt  }
0x6d: {  	_ =	shalt  }
0x6e: {  	_ =	shalt  }
0x6f: {  	_ =	shalt  }
0x70: {  	_ =	shalt  }
0x71: {  	_ =	shalt  }
0x72: {  	_ =	shalt  }
0x73: {  	_ =	shalt  }
0x74: {  	_ =	shalt  }
0x75: {  	_ =	shalt  }
0x76: {  	_ =	shalt  }
0x77: {  	_ =	shalt  }
0x78: {  	_ =	shalt  }
0x79: {  	_ =	shalt  }
0x7a: {  	_ =	shalt  }
0x7b: {  	_ =	shalt  }
0x7c: {  	_ =	shalt  }
0x7d: {  	_ =	shalt  }
0x7e: {  	_ =	shalt  }
0x7f: {  	_ =	shalt  }
0x80: {  	_ =	shalt  }
0x81: {  	_ =	shalt  }
0x82: {  	_ =	shalt  }
0x83: {  	_ =	shalt  }
0x84: {  	_ =	shalt  }
0x85: {  	_ =	shalt  }
0x86: {  	_ =	shalt  }
0x87: {  	_ =	shalt  }
.Lfunc_end0:
.L_simem_size_0:
called_computation_lowered:
.L_overlay_start_0:
0x88: {  	s2 =	sld [smem:$0x3FD9]  }
0x89: {  	s3 =	sld [smem:$0x3FFE];
	_ =	sdelay $0x1  }
0x8a: {  	s1 =	srdreg.scid  }
0x8b: {  	s0 =	sand.u32 $0x1, s1  }
0x8c: {  	s17 =	sshll.u32 s0, $0xA;
	s2 =	sadd.s32 s3, s2  }
0x8d: {  	s2 =	sadd.s32 s2, s17  }
0x8e: {  	[smem:$0x3FBF] =	sst s2  }
0x8f: {  	_ = 	snop  }
0x90: {  	s2 =	sld [smem:$0x3FC6];
	(tm) =	ssettm $0x1  }
0x91: {  	s18 =	sld [smem:$0x3FFB];
	_ =	sdelay $0x3  }
0x92: {  	_ =	strace s18  }
0x93: {  	s3 =	sld [smem:$0x3FFC];
	_ =	sdelay $0x3  }
0x94: {  	_ =	strace s3  }
0x95: {  	s3 =	sld [smem:$0x3FFD];
	_ =	sdelay $0x3  }
0x96: {  	_ =	strace s3  }
0x97: {  	_ =	strace $0x8FFFFFFF  }
0x98: {  	s19 =	sld [smem:$0x3FDB];
	_ =	sdelay $0x1  }
0x99: {  	s4 =	simm.s32 $_scs_section_size  }
0x9a: {  	s5 =	simm.s32 $_size__tile_overlayer_lowered;
	s6 =	simm.s32 $_tile_overlayer_lowered  }
0x9b: {  	s22 =	simm.s32 $0x1BFF;
	s21 =	sshll.u32 s6, $0x1;
	s3 =	sadd.s32 s4, s19  }
0x9c: {  	s7 =	simm.s32 $0x0;
	s20 =	sshll.u32 s5, $0x1;
	s5 =	sadd.s32 s21, s3  }
0x9d: {  	[timem:s7], [sflag:s22] =	dma.local [hbm:s5], s20  }
0x9e: {  	_ =	swait.ge [sflag:s22], s20  }
0x9f: {  	s4 =	ssub.s32 $0x0, s20;
	[sflag:s22] =	ssyncset.done $0x0  }
0xa0: {  	[sflag:s22] =	ssyncadd.s32 s4;
	_ =	sdelay $0x1  }
0xa1: {  	s23 =	simm.s32 $0x1B8B  }
0xa2: {  	_ =	swait.ge [sflag:s23], $0x1  }
0xa3: {  	[sflag:s23] =	ssyncset.done $0x0  }
0xa4: {  	s25 =	simm.s32 $0x1B8E;
	s24 =	sld [smem:$0x3FFE];
	[sflag:s23] =	ssyncadd.s32 $0xFFFFFFFF  }
0xa5: {  	s26 =	simm.s32 $execute0_lowered;
	[smem:$0x3FD2] =	sst s25  }
0xa6: {  	s5 =	sshll.u32 s26, $0x1;
	_ =	strace $0x80000046;
	[dreg:$0x1] =	wrdreg $0xFFFFFFFF  }
0xa7: {  	s28 =	simm.s32 $_size_execute0_lowered;
	s3 =	sadd.s32 s3, s5;
	[dreg:$0x0] =	wrdreg $0x0  }
0xa8: {  	s5 =	sshll.u32 s28, $0x1;
	[dreg:$0x2] =	wrdreg s3  }
0xa9: {  	[dreg:$0x3] =	wrdreg s5  }
0xaa: {  	[dreg:$0x4] =	wrdreg $0xC0  }
0xab: {  	_ =	task [dreg:s7], $0x5FFFF  }
0xac: {  	[dreg:$0x1] =	wrdreg $0xFFFFFFFF  }
0xad: {  	[dreg:$0x0] =	wrdreg $0x60  }
0xae: {  	[dreg:$0x2] =	wrdreg s2  }
0xaf: {  	[dreg:$0x3] =	wrdreg s24  }
0xb0: {  	[dreg:$0x4] =	wrdreg $0x9  }
0xb1: {  	_ =	task.clear_ibuf [dreg:s7], $0x5FFFF;
	_ =	strace $0x90000046  }
0xb2: {  	s29 =	simm.s32 $0x9;
	_ =	strace $0x80000048  }
0xb3: {  	_ =	swait.ge [sflag:s29], $0x1  }
0xb4: {  	[sflag:s29] =	ssyncadd.s32 $0xFFFFFFFF  }
0xb5: {  	_ =	strace $0x90000048  }
0xb6: {  	_ =	sfence  }
0xb7: {  	s30 =	sld [smem:$0x0];
	_ =	sdelay $0x2  }
0xb8: {  	s31 =	sshll.u32 s1, $0xD;
	s1 =	sshrl.u32 s1, $0x2  }
0xb9: {  	s3 =	sand.u32 $0x4000, s31;
	s1 =	sadd.s32 s1, s30  }
0xba: {  	s0 =	sor.u32 s3, s0;
	s1 =	sshll.u32 s1, $0x11  }
0xbb: {  	s0 =	sor.u32 s1, s0  }
0xbc: {  	s0 =	sadd.s32 $0x8F2B, s0  }
0xbd: {  	[sflag:s0] =	ssyncadd.remote.s32 $0x1  }
0xbe: {  	_ =	sfence.sel $0xFFFF  }
0xbf: {  	[dreg:$0x0] =	wrdreg $0xFFFFFFFF;
	(pc) =	sbr.abs _section_cstart, $3  }
0xc0: {  	[dreg:$0x1] =	wrdreg $0xFFFFFFFF  }
0xc1: {  	_ =	task.clear_ibuf [dreg:s7], $0x2FFFF;
	_ =	strace $0x9FFFFFFF  }
0xc2: {  	(tm) =	ssettm $0x7FFFFFFF  }
0xc3: {  	_ =	shalt  }
tec
execute0_lowered:
.L_overlay_start_1:
0x0: {  	(tag) =	ssettag $0x1  }
0x1: {  	s0 =	srdreg.scid  }
0x2: {  	s15 =	sand.u32 $0x1, s0  }
0x3: {  	s0 =	stileid.u32;
	s1 =	sshll.u32 s15, $0x4  }
0x4: {  	s2 =	rddreg [dreg:$0x0];
	s9 =	sor.u32 s0, s1  }
0x5: {  	s10 =	rddreg [dreg:$0x1];
	s3 =	simm.s32 $0x0;
	s14 =	smul.u32 $0x140, s9  }
0x6: {  	[smem:$0x7FF] =	sst s3  }
0x7: {  	s16 =	sadd.s32 $0x2600, s10;
	s1 =	rddreg [dreg:$0x2];
	s4 =	sshrl.u32 s14, $0x3  }
0x8: {  	_ =	strace $0x80000047;
	s5 =	sadd.s32 s16, s4;
	s4 =	simm.s32 $0x2  }
0x9: {  	[tilespmem:s3], [sflag:$0x2] =	stream.linear.gather [hbm4b:s5+s3], $0x50, $0x38;
	[tilespmem:$0x2880] =	vst v63  }
0xa: {  	_ =	swait.ge [sflag:s4], $0x50  }
0xb: {  	s6 =	simm.s32 $0x50;
	[sflag:s4] =	ssyncset.done $0x0  }
0xc: {  	s7 =	simm.s32 $0x80;
	s8 =	simm.s32 $0x1;
	[sflag:s4] =	ssyncadd.s32 $0xFFFFFFB0  }
0xd: {  	[tilespmem:s7], [sflag:$0x1] =	stream.indirect.gather [hbm4b:s2+s6], $0x80, s3, s6, $0xb8;
	[tilespmem:$0x2880] =	vst v63  }
0xe: {  	s9 =	smul.u32 $0x1400, s9;
	_ =	swait.ge [sflag:s8], $0x2800  }
0xf: {  	s17 =	sadd.s32 $0x2C00, s10;
	[sflag:s8] =	ssyncset.done $0x0  }
0x10: {  	s9 =	sadd.s32 s17, s9;
	[sflag:s8] =	ssyncadd.s32 $0xFFFFD800  }
0x11: {  	[hbm4b:s9+s3] =	stream.linear.scatter [tilespmem:s7], [sflag:$0x2], $0x2800, $0x38;
	[tilespmem:$0x2880] =	vst v63  }
0x12: {  	s11 =	sadd.s32 $0x50, s14;
	_ =	swait.ge [sflag:s4], $0x2800  }
0x13: {  	s29 =	sshrl.u32 s11, $0x3;
	[sflag:s4] =	ssyncset.done $0x0  }
0x14: {  	s10 =	sadd.s32 s16, s29;
	[sflag:s4] =	ssyncadd.s32 $0xFFFFD800  }
0x15: {  	[tilespmem:s3], [sflag:$0x2] =	stream.linear.gather [hbm4b:s10+s3], $0x50, $0x38;
	[tilespmem:$0x2880] =	vst v63  }
0x16: {  	_ =	swait.ge [sflag:s4], $0x50  }
0x17: {  	[sflag:s4] =	ssyncset.done $0x0  }
0x18: {  	[sflag:s4] =	ssyncadd.s32 $0xFFFFFFB0  }
0x19: {  	[tilespmem:s7], [sflag:$0x1] =	stream.indirect.gather [hbm4b:s2+s6], $0x80, s3, s6, $0xb8;
	[tilespmem:$0x2880] =	vst v63  }
0x1a: {  	_ =	swait.ge [sflag:s8], $0x2800  }
0x1b: {  	s11 =	sshll.u32 s11, $0x4;
	[sflag:s8] =	ssyncset.done $0x0  }
0x1c: {  	s11 =	sadd.s32 s17, s11;
	[sflag:s8] =	ssyncadd.s32 $0xFFFFD800  }
0x1d: {  	[hbm4b:s11+s3] =	stream.linear.scatter [tilespmem:s7], [sflag:$0x2], $0x2800, $0x38;
	[tilespmem:$0x2880] =	vst v63  }
0x1e: {  	s13 =	sadd.s32 $0xA0, s14;
	_ =	swait.ge [sflag:s4], $0x2800  }
0x1f: {  	s12 =	sshrl.u32 s13, $0x3;
	[sflag:s4] =	ssyncset.done $0x0  }
0x20: {  	s12 =	sadd.s32 s16, s12;
	[sflag:s4] =	ssyncadd.s32 $0xFFFFD800  }
0x21: {  	[tilespmem:s3], [sflag:$0x2] =	stream.linear.gather [hbm4b:s12+s3], $0x50, $0x38;
	[tilespmem:$0x2880] =	vst v63  }
0x22: {  	_ =	swait.ge [sflag:s4], $0x50  }
0x23: {  	[sflag:s4] =	ssyncset.done $0x0  }
0x24: {  	[sflag:s4] =	ssyncadd.s32 $0xFFFFFFB0  }
0x25: {  	[tilespmem:s7], [sflag:$0x1] =	stream.indirect.gather [hbm4b:s2+s6], $0x80, s3, s6, $0xb8;
	[tilespmem:$0x2880] =	vst v63  }
0x26: {  	_ =	swait.ge [sflag:s8], $0x2800  }
0x27: {  	s13 =	sshll.u32 s13, $0x4;
	[sflag:s8] =	ssyncset.done $0x0  }
0x28: {  	s13 =	sadd.s32 s17, s13;
	[sflag:s8] =	ssyncadd.s32 $0xFFFFD800  }
0x29: {  	[hbm4b:s13+s3] =	stream.linear.scatter [tilespmem:s7], [sflag:$0x2], $0x2800, $0x38;
	[tilespmem:$0x2880] =	vst v63  }
0x2a: {  	s18 =	sadd.s32 $0xF0, s14;
	_ =	swait.ge [sflag:s4], $0x2800  }
0x2b: {  	s14 =	sshrl.u32 s18, $0x3;
	[sflag:s4] =	ssyncset.done $0x0  }
0x2c: {  	s15 =	ssub.s32 $0x2, s15;
	s14 =	sadd.s32 s16, s14;
	[sflag:s4] =	ssyncadd.s32 $0xFFFFD800  }
0x2d: {  	[tilespmem:s3], [sflag:$0x2] =	stream.linear.gather [hbm4b:s14+s3], $0x50, $0x38;
	[tilespmem:$0x2880] =	vst v63  }
0x2e: {  	s30 =	sshrl.u32 s15, $0x1;
	_ =	swait.ge [sflag:s4], $0x50  }
0x2f: {  	s16 =	ssub.s32 s15, s30;
	[sflag:s4] =	ssyncset.done $0x0  }
0x30: {  	s16 =	smax.u32 s16, $0x1;
	[sflag:s4] =	ssyncadd.s32 $0xFFFFFFB0  }
0x31: {  	[tilespmem:s7], [sflag:$0x1] =	stream.indirect.gather [hbm4b:s2+s6], $0x80, s3, s6, $0xb8;
	[tilespmem:$0x2880] =	vst v63  }
0x32: {  	p0 =	sne.s32 s16, $0x1;
	_ =	swait.ge [sflag:s8], $0x2800  }
.Ltmp0:
0x33: {  	s31 =	sshll.u32 s18, $0x4;
	[sflag:s8] =	ssyncset.done $0x0;
	(pc) =	sbr.rel @!p0 .LBB2_2-.Ltmp0, $4  }
0x34: {  	s15 =	sadd.s32 s17, s31;
	[sflag:s8] =	ssyncadd.s32 $0xFFFFD800  }
0x35: {  	[hbm4b:s15+s3] =	stream.linear.scatter [tilespmem:s7], [sflag:$0x2], $0x2800, $0x38;
	[tilespmem:$0x2880] =	vst v63  }
0x36: {  	_ =	swait.ge [sflag:s4], $0x2800  }
0x37: {  	s16 =	sadd.s32 $0xFFFFFFFF, s16;
	[sflag:s4] =	ssyncset.done $0x0  }
.LBB2_1:
0x38: {  	p0 =	sne.s32 s16, $0x1;
	s16 =	sadd.s32 $0xFFFFFFFF, s16;
	[sflag:s4] =	ssyncadd.s32 $0xFFFFD800  }
0x39: {  	[tilespmem:s3], [sflag:$0x2] =	stream.linear.gather [hbm4b:s5+s3], $0x50, $0x38;
	[tilespmem:$0x2880] =	vst v63  }
0x3a: {  	_ =	swait.ge [sflag:s4], $0x50  }
0x3b: {  	[sflag:s4] =	ssyncset.done $0x0  }
0x3c: {  	[sflag:s4] =	ssyncadd.s32 $0xFFFFFFB0  }
0x3d: {  	[tilespmem:s7], [sflag:$0x1] =	stream.indirect.gather [hbm4b:s2+s6], $0x80, s3, s6, $0xb8;
	[tilespmem:$0x2880] =	vst v63  }
0x3e: {  	_ =	swait.ge [sflag:s8], $0x2800  }
0x3f: {  	[sflag:s8] =	ssyncset.done $0x0  }
0x40: {  	[sflag:s8] =	ssyncadd.s32 $0xFFFFD800  }
0x41: {  	[hbm4b:s9+s3] =	stream.linear.scatter [tilespmem:s7], [sflag:$0x2], $0x2800, $0x38;
	[tilespmem:$0x2880] =	vst v63  }
0x42: {  	_ =	swait.ge [sflag:s4], $0x2800  }
0x43: {  	[sflag:s4] =	ssyncset.done $0x0  }
0x44: {  	[sflag:s4] =	ssyncadd.s32 $0xFFFFD800  }
0x45: {  	[tilespmem:s3], [sflag:$0x2] =	stream.linear.gather [hbm4b:s10+s3], $0x50, $0x38;
	[tilespmem:$0x2880] =	vst v63  }
0x46: {  	_ =	swait.ge [sflag:s4], $0x50  }
0x47: {  	[sflag:s4] =	ssyncset.done $0x0  }
0x48: {  	[sflag:s4] =	ssyncadd.s32 $0xFFFFFFB0  }
0x49: {  	[tilespmem:s7], [sflag:$0x1] =	stream.indirect.gather [hbm4b:s2+s6], $0x80, s3, s6, $0xb8;
	[tilespmem:$0x2880] =	vst v63  }
0x4a: {  	_ =	swait.ge [sflag:s8], $0x2800  }
0x4b: {  	[sflag:s8] =	ssyncset.done $0x0  }
0x4c: {  	[sflag:s8] =	ssyncadd.s32 $0xFFFFD800  }
0x4d: {  	[hbm4b:s11+s3] =	stream.linear.scatter [tilespmem:s7], [sflag:$0x2], $0x2800, $0x38;
	[tilespmem:$0x2880] =	vst v63  }
0x4e: {  	_ =	swait.ge [sflag:s4], $0x2800  }
0x4f: {  	[sflag:s4] =	ssyncset.done $0x0  }
0x50: {  	[sflag:s4] =	ssyncadd.s32 $0xFFFFD800  }
0x51: {  	[tilespmem:s3], [sflag:$0x2] =	stream.linear.gather [hbm4b:s12+s3], $0x50, $0x38;
	[tilespmem:$0x2880] =	vst v63  }
0x52: {  	_ =	swait.ge [sflag:s4], $0x50  }
0x53: {  	[sflag:s4] =	ssyncset.done $0x0  }
0x54: {  	[sflag:s4] =	ssyncadd.s32 $0xFFFFFFB0  }
0x55: {  	[tilespmem:s7], [sflag:$0x1] =	stream.indirect.gather [hbm4b:s2+s6], $0x80, s3, s6, $0xb8;
	[tilespmem:$0x2880] =	vst v63  }
0x56: {  	_ =	swait.ge [sflag:s8], $0x2800  }
0x57: {  	[sflag:s8] =	ssyncset.done $0x0  }
0x58: {  	[sflag:s8] =	ssyncadd.s32 $0xFFFFD800  }
0x59: {  	[hbm4b:s13+s3] =	stream.linear.scatter [tilespmem:s7], [sflag:$0x2], $0x2800, $0x38;
	[tilespmem:$0x2880] =	vst v63  }
0x5a: {  	_ =	swait.ge [sflag:s4], $0x2800  }
0x5b: {  	[sflag:s4] =	ssyncset.done $0x0  }
0x5c: {  	[sflag:s4] =	ssyncadd.s32 $0xFFFFD800  }
0x5d: {  	[tilespmem:s3], [sflag:$0x2] =	stream.linear.gather [hbm4b:s14+s3], $0x50, $0x38;
	[tilespmem:$0x2880] =	vst v63  }
0x5e: {  	_ =	swait.ge [sflag:s4], $0x50  }
0x5f: {  	[sflag:s4] =	ssyncset.done $0x0  }
0x60: {  	[sflag:s4] =	ssyncadd.s32 $0xFFFFFFB0  }
0x61: {  	[tilespmem:s7], [sflag:$0x1] =	stream.indirect.gather [hbm4b:s2+s6], $0x80, s3, s6, $0xb8;
	[tilespmem:$0x2880] =	vst v63  }
0x62: {  	_ =	swait.ge [sflag:s8], $0x2800  }
.Ltmp1:
0x63: {  	[sflag:s8] =	ssyncset.done $0x0;
	(pc) =	sbr.rel @p0 .LBB2_1-.Ltmp1, $4  }
0x64: {  	[sflag:s8] =	ssyncadd.s32 $0xFFFFD800  }
0x65: {  	[hbm4b:s15+s3] =	stream.linear.scatter [tilespmem:s7], [sflag:$0x2], $0x2800, $0x38;
	[tilespmem:$0x2880] =	vst v63  }
0x66: {  	_ =	swait.ge [sflag:s4], $0x2800  }
0x67: {  	[sflag:s4] =	ssyncset.done $0x0  }
.LBB2_2:
0x68: {  	[sflag:s4] =	ssyncadd.s32 $0xFFFFD800  }
0x69: {  	_ =	sfence.sel $0x180000  }
0x6a: {  	[bflag:$0x0] =	sbarrier.arrive $0xFFFF  }
0x6b: {  	p0 =	sne.s32 s0, $0x0;
	_ =	strace $0x90000047  }
0x6c: {  	s0 =	sadd.s32 @!p0 $0x100000, s1;
	[bflag:$0x2] =	sbarrier.arrive $0xFFFF  }
0x6d: {  	[sflag:s0] =	ssyncadd.tile.s32 @!p0 $0x1;
	_ =	shalt  }
.Lfunc_end2:
_tile_overlayer_lowered:
.L_overlay_start_2:
0x6e: {  	(tag) =	ssettag $0x2  }
0x6f: {  	s0 =	rddreg [dreg:$0x0];
	s2 =	stileid.u32  }
0x70: {  	s1 =	rddreg [dreg:$0x1];
	p0 =	sne.s32 s2, $0x0  }
0x71: {  	s3 =	rddreg [dreg:$0x2];
	[bflag:$0x3] =	sbarrier.arrive $0xFFFF;
	s2 =	simm.s32 @!p0 $0x1C02  }
0x72: {  	[timem:s3], [sflag:s2] =	dma.local @!p0 [hbm:s0], s1  }
0x73: {  	s0 =	simm.s32 @!p0 $0x2  }
0x74: {  	_ =	swait.ge @!p0 [sflag:s0], s1  }
0x75: {  	s1 =	ssub.s32 @!p0 $0x0, s1;
	[sflag:s0] =	ssyncset.done @!p0 $0x0  }
0x76: {  	[sflag:s0] =	ssyncadd.s32 @!p0 s1  }
0x77: {  	[bflag:$0x3] =	sbarrier.arrive $0xFFFF  }
0x78: {  	_ =	shalt  }

// kernel: kernel.15.cloned.1.call-start
scs
__scs_entry_jumppad:
0x0: {  	(pc) =	sbr.rel $0x88, $3  }
0x1: {  	(tag) =	ssettag $0x0;
	lr =	simm.s32 $0x1  }
0x2: {  	[smem:$0x3F98] =	sst lr;
	_ =	strace $0xD0000000  }
0x3: {  	_ = 	snop  }
0x4: {  	_ = 	snop  }
0x5: {  	_ = 	snop  }
0x6: {  	_ = 	snop  }
0x7: {  	_ = 	snop  }
__scs_overlays_trampoline_lowered:
0x8: {  	[smem:$0x3FA7] =	sst s0  }
0x9: {  	[smem:$0x3FA8] =	sst s1  }
0xa: {  	[smem:$0x3FA9] =	sst s2  }
0xb: {  	[smem:$0x3FAA] =	sst s3  }
0xc: {  	[smem:$0x3FAB] =	sst s4  }
0xd: {  	[smem:$0x3FAC] =	sst s5  }
0xe: {  	[smem:$0x3FAD] =	sst s6  }
0xf: {  	[smem:$0x3FAE] =	sst s7  }
0x10: {  	[smem:$0x3FAF] =	sst s8  }
0x11: {  	[smem:$0x3FB0] =	sst s9;
	s0 =	simm.s32 @!p0 $0x0  }
0x12: {  	s1 =	sld [smem:$0x3F96];
	s0 =	simm.s32 @p0 $0x1  }
0x13: {  	[smem:$0x3FB1] =	sst s0;
	s0 =	simm.s32 @!p1 $0x0  }
0x14: {  	s2 =	sld [smem:$0x3F95];
	s0 =	simm.s32 @p1 $0x1  }
0x15: {  	[smem:$0x3FB2] =	sst s0;
	s0 =	simm.s32 @!p2 $0x0  }
0x16: {  	s3 =	sld [smem:$0x3FDB];
	s0 =	simm.s32 @p2 $0x1  }
0x17: {  	s4 =	simm.s32 $0x1BF5;
	[smem:$0x3FB4] =	sst s0  }
0x18: {  	s0 =	sld [smem:$0x3F97];
	_ =	swait.ge [sflag:s4], $0x0  }
0x19: {  	s7 =	sld [smem:$0x3F98]  }
0x1a: {  	s8 =	sadd.s32 $0xFFFFE003, lr  }
0x1b: {  	s9 =	sadd.s32 $0xFFFFFEF7, lr;
	s5 =	simm.s32 $0xFFFFFFFF;
	p2 =	slt.u32 s8, $0xFFFFF086  }
0x1c: {  	p1 =	slt.u32 s9, $0xF7A;
	s5 =	simm.s32 @!p2 $0x0  }
0x1d: {  	s5 =	simm.s32 @p1 $0x1;
	p0 =	seq.s32 s7, s2  }
0x1e: {  	s7 =	smul.u32 @!p0 $0xF7A, s2;
	p2 =	seq.s32 @!p0 s5, $0x0  }
0x1f: {  	s9 =	smul.u32 $0xF7A, s1;
	s8 =	simm.s32 @!p0 $0x1BF5;
	p2 =	por !p2, p0  }
0x20: {  	[sflag:s8] =	ssyncset.s32 @!p0 $0xFFFFF086;
	s6 =	sadd.s32 @!p0 s3, s7;
	s7 =	simm.s32 @!p0 $0x108  }
0x21: {  	s3 =	sadd.s32 s3, s9;
	s6 =	sadd.s32 @!p0 $0x88, s6;
	s7 =	simm.s32 @p2 $0x1082  }
0x22: {  	[simem:s7], [sflag:s8] =	dma.local @!p0 [hbm:s6], $0xF7A  }
0x23: {  	s9 =	sor.u32 $0xD0000000, s2;
	s6 =	simm.s32 $0x108;
	_ =	swait.ge @!p0 [sflag:s8], $0x0  }
0x24: {  	s3 =	sadd.s32 $0x88, s3;
	s6 =	simm.s32 @!p1 $0x1082;
	[sflag:s4] =	ssyncset.s32 $0xFFFFF086  }
0x25: {  	[simem:s6], [sflag:s4] =	dma.local [hbm:s3], $0xF7A  }
0x26: {  	[smem:$0x3F98] =	sst s1;
	(tag) =	ssettag s2;
	_ =	strace s9  }
0x27: {  	s1 =	sld [smem:$0x3FA8]  }
0x28: {  	s2 =	sld [smem:$0x3FA9]  }
0x29: {  	s4 =	sld [smem:$0x3FAB]  }
0x2a: {  	p0 =	seq.s32 s5, $0x0;
	s5 =	sld [smem:$0x3FAC]  }
0x2b: {  	s6 =	sld [smem:$0x3FAD]  }
0x2c: {  	s7 =	sld [smem:$0x3FAE]  }
0x2d: {  	s3 =	simm.s32 $0x108;
	s8 =	sld [smem:$0x3FAF]  }
0x2e: {  	s3 =	simm.s32 @!p0 $0x1082;
	s9 =	sld [smem:$0x3FB0]  }
0x2f: {  	lr =	sadd.s32 s0, s3;
	s0 =	sld [smem:$0x3FA7]  }
0x30: {  	s3 =	sld [smem:$0x3FAA]  }
0x31: {  	[smem:$0x3FB3] =	sst s10  }
0x32: {  	s10 =	sld [smem:$0x3FB1];
	_ =	sdelay $0x3  }
0x33: {  	p0 =	seq.s32 s10, $0x1;
	s10 =	sld [smem:$0x3FB3];
	_ =	sdelay $0x3  }
0x34: {  	[smem:$0x3FB3] =	sst s10  }
0x35: {  	s10 =	sld [smem:$0x3FB2];
	_ =	sdelay $0x3  }
0x36: {  	p1 =	seq.s32 s10, $0x1;
	s10 =	sld [smem:$0x3FB3];
	_ =	sdelay $0x3  }
0x37: {  	[smem:$0x3FB3] =	sst s10  }
0x38: {  	s10 =	sld [smem:$0x3FB4]  }
0x39: {  	_ = 	snop;
	(pc) =	sbr.ind lr, $3  }
0x3a: {  	_ = 	snop  }
0x3b: {  	_ = 	snop  }
0x3c: {  	p2 =	seq.s32 s10, $0x1;
	s10 =	sld [smem:$0x3FB3]  }
0x3d: {  	_ =	shalt  }
0x3e: {  	_ =	shalt  }
0x3f: {  	_ =	shalt  }
0x40: {  	_ =	shalt  }
0x41: {  	_ =	shalt  }
0x42: {  	_ =	shalt  }
0x43: {  	_ =	shalt  }
0x44: {  	_ =	shalt  }
0x45: {  	_ =	shalt  }
0x46: {  	_ =	shalt  }
0x47: {  	_ =	shalt  }
0x48: {  	_ =	shalt  }
0x49: {  	_ =	shalt  }
0x4a: {  	_ =	shalt  }
0x4b: {  	_ =	shalt  }
0x4c: {  	_ =	shalt  }
0x4d: {  	_ =	shalt  }
0x4e: {  	_ =	shalt  }
0x4f: {  	_ =	shalt  }
0x50: {  	_ =	shalt  }
0x51: {  	_ =	shalt  }
0x52: {  	_ =	shalt  }
0x53: {  	_ =	shalt  }
0x54: {  	_ =	shalt  }
0x55: {  	_ =	shalt  }
0x56: {  	_ =	shalt  }
0x57: {  	_ =	shalt  }
0x58: {  	_ =	shalt  }
0x59: {  	_ =	shalt  }
0x5a: {  	_ =	shalt  }
0x5b: {  	_ =	shalt  }
0x5c: {  	_ =	shalt  }
0x5d: {  	_ =	shalt  }
0x5e: {  	_ =	shalt  }
0x5f: {  	_ =	shalt  }
0x60: {  	_ =	shalt  }
0x61: {  	_ =	shalt  }
0x62: {  	_ =	shalt  }
0x63: {  	_ =	shalt  }
0x64: {  	_ =	shalt  }
0x65: {  	_ =	shalt  }
0x66: {  	_ =	shalt  }
0x67: {  	_ =	shalt  }
0x68: {  	_ =	shalt  }
0x69: {  	_ =	shalt  }
0x6a: {  	_ =	shalt  }
0x6b: {  	_ =	shalt  }
0x6c: {  	_ =	shalt  }
0x6d: {  	_ =	shalt  }
0x6e: {  	_ =	shalt  }
0x6f: {  	_ =	shalt  }
0x70: {  	_ =	shalt  }
0x71: {  	_ =	shalt  }
0x72: {  	_ =	shalt  }
0x73: {  	_ =	shalt  }
0x74: {  	_ =	shalt  }
0x75: {  	_ =	shalt  }
0x76: {  	_ =	shalt  }
0x77: {  	_ =	shalt  }
0x78: {  	_ =	shalt  }
0x79: {  	_ =	shalt  }
0x7a: {  	_ =	shalt  }
0x7b: {  	_ =	shalt  }
0x7c: {  	_ =	shalt  }
0x7d: {  	_ =	shalt  }
0x7e: {  	_ =	shalt  }
0x7f: {  	_ =	shalt  }
0x80: {  	_ =	shalt  }
0x81: {  	_ =	shalt  }
0x82: {  	_ =	shalt  }
0x83: {  	_ =	shalt  }
0x84: {  	_ =	shalt  }
0x85: {  	_ =	shalt  }
0x86: {  	_ =	shalt  }
0x87: {  	_ =	shalt  }
.Lfunc_end0:
.L_simem_size_0:
called_computation.1_lowered:
.L_overlay_start_0:
0x88: {  	s2 =	sld [smem:$0x3FD9]  }
0x89: {  	s3 =	sld [smem:$0x3FFE];
	_ =	sdelay $0x1  }
0x8a: {  	s1 =	srdreg.scid  }
0x8b: {  	s0 =	sand.u32 $0x1, s1  }
0x8c: {  	s17 =	sshll.u32 s0, $0xA;
	s2 =	sadd.s32 s3, s2  }
0x8d: {  	s2 =	sadd.s32 s2, s17  }
0x8e: {  	[smem:$0x3FBF] =	sst s2  }
0x8f: {  	_ = 	snop  }
0x90: {  	s2 =	sld [smem:$0x3FD0];
	(tm) =	ssettm $0x1  }
0x91: {  	s18 =	sld [smem:$0x3FFB];
	_ =	sdelay $0x3  }
0x92: {  	_ =	strace s18  }
0x93: {  	s3 =	sld [smem:$0x3FFC];
	_ =	sdelay $0x3  }
0x94: {  	_ =	strace s3  }
0x95: {  	s3 =	sld [smem:$0x3FFD];
	_ =	sdelay $0x3  }
0x96: {  	_ =	strace s3  }
0x97: {  	_ =	strace $0x8FFFFFFF  }
0x98: {  	s19 =	sld [smem:$0x3FDB];
	_ =	sdelay $0x1  }
0x99: {  	s4 =	simm.s32 $_scs_section_size  }
0x9a: {  	s5 =	simm.s32 $_size__tile_overlayer_lowered;
	s6 =	simm.s32 $_tile_overlayer_lowered  }
0x9b: {  	s22 =	simm.s32 $0x1BFF;
	s21 =	sshll.u32 s6, $0x1;
	s3 =	sadd.s32 s4, s19  }
0x9c: {  	s7 =	simm.s32 $0x0;
	s20 =	sshll.u32 s5, $0x1;
	s5 =	sadd.s32 s21, s3  }
0x9d: {  	[timem:s7], [sflag:s22] =	dma.local [hbm:s5], s20  }
0x9e: {  	_ =	swait.ge [sflag:s22], s20  }
0x9f: {  	s4 =	ssub.s32 $0x0, s20;
	[sflag:s22] =	ssyncset.done $0x0  }
0xa0: {  	[sflag:s22] =	ssyncadd.s32 s4;
	_ =	sdelay $0x1  }
0xa1: {  	s23 =	simm.s32 $0x1B8B  }
0xa2: {  	_ =	swait.ge [sflag:s23], $0x1  }
0xa3: {  	[sflag:s23] =	ssyncset.done $0x0  }
0xa4: {  	s25 =	simm.s32 $0x1B8E;
	s24 =	sld [smem:$0x3FFE];
	[sflag:s23] =	ssyncadd.s32 $0xFFFFFFFF  }
0xa5: {  	s26 =	simm.s32 $execute0_lowered;
	[smem:$0x3FD2] =	sst s25  }
0xa6: {  	s5 =	sshll.u32 s26, $0x1;
	_ =	strace $0x80000049;
	[dreg:$0x1] =	wrdreg $0xFFFFFFFF  }
0xa7: {  	s28 =	simm.s32 $_size_execute0_lowered;
	s3 =	sadd.s32 s3, s5;
	[dreg:$0x0] =	wrdreg $0x0  }
0xa8: {  	s5 =	sshll.u32 s28, $0x1;
	[dreg:$0x2] =	wrdreg s3  }
0xa9: {  	[dreg:$0x3] =	wrdreg s5  }
0xaa: {  	[dreg:$0x4] =	wrdreg $0xC0  }
0xab: {  	_ =	task [dreg:s7], $0x5FFFF  }
0xac: {  	[dreg:$0x1] =	wrdreg $0xFFFFFFFF  }
0xad: {  	[dreg:$0x0] =	wrdreg $0x60  }
0xae: {  	[dreg:$0x2] =	wrdreg s24  }
0xaf: {  	[dreg:$0x3] =	wrdreg s2  }
0xb0: {  	[dreg:$0x4] =	wrdreg $0x42000  }
0xb1: {  	[dreg:$0x5] =	wrdreg $0x9  }
0xb2: {  	_ =	task.clear_ibuf [dreg:s7], $0x6FFFF;
	_ =	strace $0x90000049  }
0xb3: {  	s29 =	simm.s32 $0x9;
	_ =	strace $0x8000004B  }
0xb4: {  	_ =	swait.ge [sflag:s29], $0x1  }
0xb5: {  	[sflag:s29] =	ssyncadd.s32 $0xFFFFFFFF  }
0xb6: {  	_ =	strace $0x9000004B  }
0xb7: {  	_ =	sfence  }
0xb8: {  	s30 =	sld [smem:$0x0];
	_ =	sdelay $0x2  }
0xb9: {  	s31 =	sshll.u32 s1, $0xD;
	s1 =	sshrl.u32 s1, $0x2  }
0xba: {  	s3 =	sand.u32 $0x4000, s31;
	s1 =	sadd.s32 s1, s30  }
0xbb: {  	s0 =	sor.u32 s3, s0;
	s1 =	sshll.u32 s1, $0x11  }
0xbc: {  	s0 =	sor.u32 s1, s0  }
0xbd: {  	s0 =	sadd.s32 $0x8F2B, s0  }
0xbe: {  	[sflag:s0] =	ssyncadd.remote.s32 $0x1  }
0xbf: {  	_ =	sfence.sel $0xFFFF  }
0xc0: {  	[dreg:$0x0] =	wrdreg $0xFFFFFFFF;
	(pc) =	sbr.abs _section_cstart, $3  }
0xc1: {  	[dreg:$0x1] =	wrdreg $0xFFFFFFFF  }
0xc2: {  	_ =	task.clear_ibuf [dreg:s7], $0x2FFFF;
	_ =	strace $0x9FFFFFFF  }
0xc3: {  	(tm) =	ssettm $0x7FFFFFFF  }
tec
execute0_lowered:
.L_overlay_start_1:
0x0: {  	(tag) =	ssettag $0x1  }
0x1: {  	s6 =	rddreg [dreg:$0x0]  }
0x2: {  	s9 =	rddreg [dreg:$0x1]  }
0x3: {  	s1 =	rddreg [dreg:$0x2]  }
0x4: {  	s2 =	srdreg.scid;
	s0 =	rddreg [dreg:$0x3];
	s3 =	simm.s32 $0x0  }
0x5: {  	s19 =	simm.s32 $0x100;
	s20 =	simm.s32 $0x180;
	s7 =	sand.u32 $0x1, s2  }
0x6: {  	s21 =	simm.s32 $0x200;
	s2 =	stileid.u32;
	s5 =	smul.u32 $0x140000, s7  }
0x7: {  	s22 =	simm.s32 $0x1;
	s23 =	simm.s32 $0x0;
	s8 =	smul.u32 $0x14000, s2  }
0x8: {  	[smem:$0x7FF] =	sst s3;
	s4 =	sadd.s32 $0x34C00, s6;
	s10 =	smul.u32 $0x2800, s7  }
0x9: {  	_ =	strace $0x8000004A;
	s11 =	smul.u32 $0x50000, s2;
	s28 =	ssub.s32 $0x2, s7  }
0xa: {  	s13 =	sshll.u32 s2, $0x6;
	s29 =	smul.u32 $0x280, s2;
	s7 =	sshrl.u32 s28, $0x1  }
0xb: {  	s8 =	sadd.s32 s8, s5;
	s5 =	sadd.s32 $0x2600, s6;
	s12 =	sadd.s32 s10, s6  }
0xc: {  	s11 =	sshrl.u32 s11, $0x2;
	s14 =	ssub.s32 s28, s7;
	s31 =	sadd.s32 s10, s9  }
0xd: {  	s8 =	sshrl.u32 s8, $0x3;
	s15 =	sadd.s32 s11, s1;
	s12 =	sadd.s32 s29, s12  }
0xe: {  	s11 =	sadd.s32 s29, s31;
	s8 =	sadd.s32 s8, s6;
	s6 =	sor.u32 $0x1C02, s13  }
0xf: {  	s30 =	sadd.s32 $0x4000, s15;
	s16 =	sadd.s32 $0x8000, s15;
	s17 =	sadd.s32 $0xC000, s15  }
0x10: {  	s18 =	sadd.s32 $0x10000, s15;
	s9 =	sadd.s32 $0x2FC00, s12;
	s10 =	sadd.s32 $0x2AC00, s12  }
0x11: {  	s12 =	sshrl.u32 s15, $0x3;
	s13 =	simm.s32 $0x2;
	s7 =	sadd.s32 $0xACC00, s8  }
0x12: {  	s8 =	smax.u32 s14, $0x1;
	s14 =	sshrl.u32 s30, $0x3;
	s15 =	sshrl.u32 s16, $0x3  }
0x13: {  	s16 =	sshrl.u32 s17, $0x3;
	s17 =	sshrl.u32 s18, $0x3;
	s18 =	simm.s32 $0x80  }
.LBB2_1:
0x14: {  	[spmem:s12], [sflag:s6] =	dma.local [hbm:s5], $0x800  }
0x15: {  	_ =	swait.ge [sflag:s13], $0x800  }
0x16: {  	[sflag:s13] =	ssyncset.done $0x0  }
0x17: {  	[sflag:s13] =	ssyncadd.s32 $0xFFFFF800  }
0x18: {  	[spmem:s14], [sflag:s6] =	dma.local [hbm:s5], $0x800  }
0x19: {  	_ =	swait.ge [sflag:s13], $0x800  }
0x1a: {  	[sflag:s13] =	ssyncset.done $0x0  }
0x1b: {  	[sflag:s13] =	ssyncadd.s32 $0xFFFFF800  }
0x1c: {  	[spmem:s15], [sflag:s6] =	dma.local [hbm:s5], $0x800  }
0x1d: {  	_ =	swait.ge [sflag:s13], $0x800  }
0x1e: {  	[sflag:s13] =	ssyncset.done $0x0  }
0x1f: {  	[sflag:s13] =	ssyncadd.s32 $0xFFFFF800  }
0x20: {  	[spmem:s16], [sflag:s6] =	dma.local [hbm:s5], $0x800  }
0x21: {  	_ =	swait.ge [sflag:s13], $0x800  }
0x22: {  	[sflag:s13] =	ssyncset.done $0x0  }
0x23: {  	[sflag:s13] =	ssyncadd.s32 $0xFFFFF800  }
0x24: {  	[spmem:s17], [sflag:s6] =	dma.local [hbm:s5], $0x800  }
0x25: {  	_ =	swait.ge [sflag:s13], $0x800  }
0x26: {  	[sflag:s13] =	ssyncset.done $0x0  }
0x27: {  	[sflag:s13] =	ssyncadd.s32 $0xFFFFF800  }
0x28: {  	s24 =	sadd.s32 $0x0, s11;
	[bflag:$0x0] =	sbarrier.arrive $0xFFFF  }
0x29: {  	[tilespmem:s3], [sflag:$0x2] =	stream.linear.gather [hbm4b:s24+s3], $0x80, $0x38;
	[tilespmem:$0x18200] =	vst v63  }
0x2a: {  	_ =	swait.ge [sflag:s13], $0x80  }
0x2b: {  	[sflag:s13] =	ssyncset.done $0x0  }
0x2c: {  	s30 =	sadd.s32 $0x0, s10;
	[sflag:s13] =	ssyncadd.s32 $0xFFFFFF80  }
0x2d: {  	[tilespmem:s18], [sflag:$0x2] =	stream.linear.gather [hbm4b:s30+s3], $0x80, $0x38;
	[tilespmem:$0x18200] =	vst v63  }
0x2e: {  	_ =	swait.ge [sflag:s13], $0x80  }
0x2f: {  	[sflag:s13] =	ssyncset.done $0x0  }
0x30: {  	s31 =	sadd.s32 $0x0, s9;
	[sflag:s13] =	ssyncadd.s32 $0xFFFFFF80  }
0x31: {  	[tilespmem:s19], [sflag:$0x2] =	stream.linear.gather [hbm4b:s31+s3], $0x80, $0x38;
	[tilespmem:$0x18200] =	vst v63  }
0x32: {  	_ =	swait.ge [sflag:s13], $0x80  }
0x33: {  	[sflag:s13] =	ssyncset.done $0x0  }
0x34: {  	[sflag:s13] =	ssyncadd.s32 $0xFFFFFF80  }
0x35: {  	v1 =	vld [tilespmem:$0xB0]  }
0x36: {  	v0 =	vld [tilespmem:$0xC0]  }
0x37: {  	s24 =	simm.s32 $0x10;
	v2 =	vld [tilespmem:$0xE0]  }
.LBB2_2:
0x38: {  	p0 =	sne.s32 s24, $0x270;
	v3 =	vld [tilespmem:$0xF0];
	s25 =	smov.u32 s24;
	s24 =	sadd.s32 $0x10, s24  }
0x39: {  	v4 =	vld [tilespmem:$0x90]  }
0x3a: {  	v5 =	vld [tilespmem:$0xA0]  }
0x3b: {  	v6 =	vld [tilespmem:$0x60]  }
0x3c: {  	v7 =	vld [tilespmem:$0x30]  }
0x3d: {  	v8 =	vld [tilespmem:$0x20]  }
0x3e: {  	v9 =	vld [tilespmem:$0x70]  }
0x3f: {  	v10 =	vld [tilespmem:$0x10]  }
0x40: {  	v11 =	vld [tilespmem:$0x40];
	v6 =	vmul.u32 $0x3, v6  }
0x41: {  	v12 =	vld [tilespmem:$0x0];
	v7 =	vmul.u32 $0x3, v7  }
0x42: {  	v8 =	vmul.u32 $0x3, v8;
	v13 =	vld [tilespmem:$0x50];
	v2 =	vadd.s32 v2, v6  }
0x43: {  	v6 =	vld [tilespmem:$0x80];
	v1 =	vadd.s32 v1, v7;
	[tilespmem:$0x1E0] =	vst v2;
	v2 =	vmul.u32 $0x3, v9  }
0x44: {  	v7 =	vmul.u32 $0x3, v10;
	v5 =	vadd.s32 v5, v8;
	[tilespmem:$0x1B0] =	vst v1;
	v1 =	vld [tilespmem:$0xD0]  }
0x45: {  	[tilespmem:$0x1A0] =	vst v5;
	v5 =	vmul.u32 $0x3, v11;
	v2 =	vadd.s32 v3, v2  }
0x46: {  	v3 =	vmul.u32 $0x3, v12;
	v4 =	vadd.s32 v4, v7;
	[tilespmem:$0x1F0] =	vst v2  }
0x47: {  	[tilespmem:$0x190] =	vst v4;
	v0 =	vadd.s32 v0, v5;
	v2 =	vmul.u32 $0x3, v13  }
0x48: {  	v3 =	vadd.s32 v6, v3;
	[tilespmem:$0x1C0] =	vst v0  }
0x49: {  	[tilespmem:$0x180] =	vst v3;
	v0 =	vadd.s32 v1, v2  }
0x4a: {  	[tilespmem:$0x1D0] =	vst v0  }
0x4b: {  	[tilespmem:s21], [sflag:$0x1] =	stream.indirect.gather [hbm4b:s4+s18], $0x80, s20, s18, $0xb8;
	[tilespmem:$0x18200] =	vst v63  }
0x4c: {  	_ =	swait.ge [sflag:s22], $0x4000  }
0x4d: {  	[sflag:s22] =	ssyncset.done $0x0  }
0x4e: {  	[sflag:s22] =	ssyncadd.s32 $0xFFFFC000  }
0x4f: {  	[spmem:s1] =	stream.indirect.scatter.add.f32 [tilespmem:s21], [sflag:$0x2], $0x80, s19, s18, $0xb8;
	[tilespmem:$0x18200] =	vst v63  }
0x50: {  	_ =	swait.ge [sflag:s13], $0x4000  }
0x51: {  	[sflag:s13] =	ssyncset.done $0x0  }
0x52: {  	s26 =	sadd.s32 s25, s11;
	[sflag:s13] =	ssyncadd.s32 $0xFFFFC000  }
0x53: {  	[tilespmem:s3], [sflag:$0x2] =	stream.linear.gather [hbm4b:s26+s3], $0x80, $0x38;
	[tilespmem:$0x18200] =	vst v63  }
0x54: {  	_ =	swait.ge [sflag:s13], $0x80  }
0x55: {  	[sflag:s13] =	ssyncset.done $0x0  }
0x56: {  	s26 =	sadd.s32 s25, s10;
	[sflag:s13] =	ssyncadd.s32 $0xFFFFFF80  }
0x57: {  	[tilespmem:s18], [sflag:$0x2] =	stream.linear.gather [hbm4b:s26+s3], $0x80, $0x38;
	[tilespmem:$0x18200] =	vst v63  }
0x58: {  	_ =	swait.ge [sflag:s13], $0x80  }
0x59: {  	[sflag:s13] =	ssyncset.done $0x0  }
0x5a: {  	s25 =	sadd.s32 s25, s9;
	[sflag:s13] =	ssyncadd.s32 $0xFFFFFF80  }
0x5b: {  	[tilespmem:s19], [sflag:$0x2] =	stream.linear.gather [hbm4b:s25+s3], $0x80, $0x38;
	[tilespmem:$0x18200] =	vst v63  }
0x5c: {  	_ =	swait.ge [sflag:s13], $0x80  }
.Ltmp0:
0x5d: {  	[sflag:s13] =	ssyncset.done $0x0;
	(pc) =	sbr.rel @p0 .LBB2_2-.Ltmp0, $4  }
0x5e: {  	[sflag:s13] =	ssyncadd.s32 $0xFFFFFF80  }
0x5f: {  	v1 =	vld [tilespmem:$0xB0]  }
0x60: {  	v0 =	vld [tilespmem:$0xC0]  }
0x61: {  	v2 =	vld [tilespmem:$0xE0]  }
0x62: {  	v4 =	vld [tilespmem:$0x90]  }
0x63: {  	v5 =	vld [tilespmem:$0xA0]  }
0x64: {  	v6 =	vld [tilespmem:$0x60]  }
0x65: {  	v7 =	vld [tilespmem:$0x30]  }
0x66: {  	v8 =	vld [tilespmem:$0x20]  }
0x67: {  	v9 =	vld [tilespmem:$0x70]  }
0x68: {  	v10 =	vld [tilespmem:$0x10]  }
0x69: {  	v11 =	vld [tilespmem:$0x40]  }
0x6a: {  	v13 =	vld [tilespmem:$0x50];
	v6 =	vmul.u32 $0x3, v6  }
0x6b: {  	v12 =	vld [tilespmem:$0x0];
	v7 =	vmul.u32 $0x3, v7  }
0x6c: {  	v59 =	vld [tilespmem:$0xD0];
	v8 =	vmul.u32 $0x3, v8;
	v2 =	vadd.s32 v2, v6  }
0x6d: {  	v3 =	vld [tilespmem:$0xF0];
	v58 =	vmul.u32 $0x3, v10;
	v1 =	vadd.s32 v1, v7;
	[tilespmem:$0x1E0] =	vst v2  }
0x6e: {  	v56 =	vld [tilespmem:$0x80];
	v60 =	vmul.u32 $0x3, v11;
	v5 =	vadd.s32 v5, v8;
	[tilespmem:$0x1B0] =	vst v1  }
0x6f: {  	v62 =	vmul.u32 $0x3, v13;
	v4 =	vadd.s32 v4, v58;
	[tilespmem:$0x1A0] =	vst v5  }
0x70: {  	v57 =	vmul.u32 $0x3, v9;
	v0 =	vadd.s32 v0, v60;
	[tilespmem:$0x190] =	vst v4  }
0x71: {  	v61 =	vmul.u32 $0x3, v12;
	v63 =	vadd.s32 v59, v62;
	[tilespmem:$0x1C0] =	vst v0  }
0x72: {  	v2 =	vadd.s32 v3, v57;
	[tilespmem:$0x1D0] =	vst v63  }
0x73: {  	v3 =	vadd.s32 v56, v61;
	[tilespmem:$0x1F0] =	vst v2  }
0x74: {  	[tilespmem:$0x180] =	vst v3  }
0x75: {  	[tilespmem:s21], [sflag:$0x1] =	stream.indirect.gather [hbm4b:s4+s18], $0x80, s20, s18, $0xb8;
	[tilespmem:$0x18200] =	vst v63  }
0x76: {  	_ =	swait.ge [sflag:s22], $0x4000  }
0x77: {  	[sflag:s22] =	ssyncset.done $0x0  }
0x78: {  	[sflag:s22] =	ssyncadd.s32 $0xFFFFC000  }
0x79: {  	[spmem:s1] =	stream.indirect.scatter.add.f32 [tilespmem:s21], [sflag:$0x2], $0x80, s19, s18, $0xb8;
	[tilespmem:$0x18200] =	vst v63  }
0x7a: {  	_ =	swait.ge [sflag:s13], $0x4000  }
0x7b: {  	s23 =	sadd.s32 $0x1, s23;
	[sflag:s13] =	ssyncset.done $0x0  }
0x7c: {  	p0 =	sne.s32 s23, s8;
	[sflag:s13] =	ssyncadd.s32 $0xFFFFC000  }
.Ltmp1:
0x7d: {  	[bflag:$0x0] =	sbarrier.arrive $0xFFFF;
	(pc) =	sbr.rel @p0 .LBB2_1-.Ltmp1, $4  }
0x7e: {  	[hbm:s7], [sflag:s6] =	dma.local [spmem:s12], $0x2800  }
0x7f: {  	_ =	swait.ge [sflag:s13], $0x2800  }
0x80: {  	[sflag:s13] =	ssyncset.done $0x0  }
0x81: {  	[sflag:s13] =	ssyncadd.s32 $0xFFFFD800  }
0x82: {  	_ =	sfence.sel $0x180000  }
0x83: {  	[bflag:$0x0] =	sbarrier.arrive $0xFFFF  }
0x84: {  	p0 =	sne.s32 s2, $0x0;
	_ =	strace $0x9000004A  }
0x85: {  	s0 =	sadd.s32 @!p0 $0x100000, s0;
	[bflag:$0x2] =	sbarrier.arrive $0xFFFF  }
0x86: {  	[sflag:s0] =	ssyncadd.tile.s32 @!p0 $0x1;
	_ =	shalt  }
.Lfunc_end2:
_tile_overlayer_lowered:
.L_overlay_start_2:
0x87: {  	(tag) =	ssettag $0x2  }
0x88: {  	s0 =	rddreg [dreg:$0x0];
	s2 =	stileid.u32  }
0x89: {  	s1 =	rddreg [dreg:$0x1];
	p0 =	sne.s32 s2, $0x0  }
0x8a: {  	s3 =	rddreg [dreg:$0x2];
	[bflag:$0x3] =	sbarrier.arrive $0xFFFF;
	s2 =	simm.s32 @!p0 $0x1C02  }
0x8b: {  	[timem:s3], [sflag:s2] =	dma.local @!p0 [hbm:s0], s1  }
0x8c: {  	s0 =	simm.s32 @!p0 $0x2  }
0x8d: {  	_ =	swait.ge @!p0 [sflag:s0], s1  }
0x8e: {  	s1 =	ssub.s32 @!p0 $0x0, s1;
	[sflag:s0] =	ssyncset.done @!p0 $0x0  }
0x8f: {  	[sflag:s0] =	ssyncadd.s32 @!p0 s1  }
0x90: {  	[bflag:$0x3] =	sbarrier.arrive $0xFFFF  }
0x91: {  	_ =	shalt  }

// kernel: kernel.18.cloned.1.call-start
scs
__scs_entry_jumppad:
0x0: {  	(pc) =	sbr.rel $0x88, $3  }
0x1: {  	(tag) =	ssettag $0x0;
	lr =	simm.s32 $0x1  }
0x2: {  	[smem:$0x3F98] =	sst lr;
	_ =	strace $0xD0000000  }
0x3: {  	_ = 	snop  }
0x4: {  	_ = 	snop  }
0x5: {  	_ = 	snop  }
0x6: {  	_ = 	snop  }
0x7: {  	_ = 	snop  }
__scs_overlays_trampoline_lowered:
0x8: {  	[smem:$0x3FA7] =	sst s0  }
0x9: {  	[smem:$0x3FA8] =	sst s1  }
0xa: {  	[smem:$0x3FA9] =	sst s2  }
0xb: {  	[smem:$0x3FAA] =	sst s3  }
0xc: {  	[smem:$0x3FAB] =	sst s4  }
0xd: {  	[smem:$0x3FAC] =	sst s5  }
0xe: {  	[smem:$0x3FAD] =	sst s6  }
0xf: {  	[smem:$0x3FAE] =	sst s7  }
0x10: {  	[smem:$0x3FAF] =	sst s8  }
0x11: {  	[smem:$0x3FB0] =	sst s9;
	s0 =	simm.s32 @!p0 $0x0  }
0x12: {  	s1 =	sld [smem:$0x3F96];
	s0 =	simm.s32 @p0 $0x1  }
0x13: {  	[smem:$0x3FB1] =	sst s0;
	s0 =	simm.s32 @!p1 $0x0  }
0x14: {  	s2 =	sld [smem:$0x3F95];
	s0 =	simm.s32 @p1 $0x1  }
0x15: {  	[smem:$0x3FB2] =	sst s0;
	s0 =	simm.s32 @!p2 $0x0  }
0x16: {  	s3 =	sld [smem:$0x3FDB];
	s0 =	simm.s32 @p2 $0x1  }
0x17: {  	s4 =	simm.s32 $0x1BF5;
	[smem:$0x3FB4] =	sst s0  }
0x18: {  	s0 =	sld [smem:$0x3F97];
	_ =	swait.ge [sflag:s4], $0x0  }
0x19: {  	s7 =	sld [smem:$0x3F98]  }
0x1a: {  	s8 =	sadd.s32 $0xFFFFE003, lr  }
0x1b: {  	s9 =	sadd.s32 $0xFFFFFEF7, lr;
	s5 =	simm.s32 $0xFFFFFFFF;
	p2 =	slt.u32 s8, $0xFFFFF086  }
0x1c: {  	p1 =	slt.u32 s9, $0xF7A;
	s5 =	simm.s32 @!p2 $0x0  }
0x1d: {  	s5 =	simm.s32 @p1 $0x1;
	p0 =	seq.s32 s7, s2  }
0x1e: {  	s7 =	smul.u32 @!p0 $0xF7A, s2;
	p2 =	seq.s32 @!p0 s5, $0x0  }
0x1f: {  	s9 =	smul.u32 $0xF7A, s1;
	s8 =	simm.s32 @!p0 $0x1BF5;
	p2 =	por !p2, p0  }
0x20: {  	[sflag:s8] =	ssyncset.s32 @!p0 $0xFFFFF086;
	s6 =	sadd.s32 @!p0 s3, s7;
	s7 =	simm.s32 @!p0 $0x108  }
0x21: {  	s3 =	sadd.s32 s3, s9;
	s6 =	sadd.s32 @!p0 $0x88, s6;
	s7 =	simm.s32 @p2 $0x1082  }
0x22: {  	[simem:s7], [sflag:s8] =	dma.local @!p0 [hbm:s6], $0xF7A  }
0x23: {  	s9 =	sor.u32 $0xD0000000, s2;
	s6 =	simm.s32 $0x108;
	_ =	swait.ge @!p0 [sflag:s8], $0x0  }
0x24: {  	s3 =	sadd.s32 $0x88, s3;
	s6 =	simm.s32 @!p1 $0x1082;
	[sflag:s4] =	ssyncset.s32 $0xFFFFF086  }
0x25: {  	[simem:s6], [sflag:s4] =	dma.local [hbm:s3], $0xF7A  }
0x26: {  	[smem:$0x3F98] =	sst s1;
	(tag) =	ssettag s2;
	_ =	strace s9  }
0x27: {  	s1 =	sld [smem:$0x3FA8]  }
0x28: {  	s2 =	sld [smem:$0x3FA9]  }
0x29: {  	s4 =	sld [smem:$0x3FAB]  }
0x2a: {  	p0 =	seq.s32 s5, $0x0;
	s5 =	sld [smem:$0x3FAC]  }
0x2b: {  	s6 =	sld [smem:$0x3FAD]  }
0x2c: {  	s7 =	sld [smem:$0x3FAE]  }
0x2d: {  	s3 =	simm.s32 $0x108;
	s8 =	sld [smem:$0x3FAF]  }
0x2e: {  	s3 =	simm.s32 @!p0 $0x1082;
	s9 =	sld [smem:$0x3FB0]  }
0x2f: {  	lr =	sadd.s32 s0, s3;
	s0 =	sld [smem:$0x3FA7]  }
0x30: {  	s3 =	sld [smem:$0x3FAA]  }
0x31: {  	[smem:$0x3FB3] =	sst s10  }
0x32: {  	s10 =	sld [smem:$0x3FB1];
	_ =	sdelay $0x3  }
0x33: {  	p0 =	seq.s32 s10, $0x1;
	s10 =	sld [smem:$0x3FB3];
	_ =	sdelay $0x3  }
0x34: {  	[smem:$0x3FB3] =	sst s10  }
0x35: {  	s10 =	sld [smem:$0x3FB2];
	_ =	sdelay $0x3  }
0x36: {  	p1 =	seq.s32 s10, $0x1;
	s10 =	sld [smem:$0x3FB3];
	_ =	sdelay $0x3  }
0x37: {  	[smem:$0x3FB3] =	sst s10  }
0x38: {  	s10 =	sld [smem:$0x3FB4]  }
0x39: {  	_ = 	snop;
	(pc) =	sbr.ind lr, $3  }
0x3a: {  	_ = 	snop  }
0x3b: {  	_ = 	snop  }
0x3c: {  	p2 =	seq.s32 s10, $0x1;
	s10 =	sld [smem:$0x3FB3]  }
0x3d: {  	_ =	shalt  }
0x3e: {  	_ =	shalt  }
0x3f: {  	_ =	shalt  }
0x40: {  	_ =	shalt  }
0x41: {  	_ =	shalt  }
0x42: {  	_ =	shalt  }
0x43: {  	_ =	shalt  }
0x44: {  	_ =	shalt  }
0x45: {  	_ =	shalt  }
0x46: {  	_ =	shalt  }
0x47: {  	_ =	shalt  }
0x48: {  	_ =	shalt  }
0x49: {  	_ =	shalt  }
0x4a: {  	_ =	shalt  }
0x4b: {  	_ =	shalt  }
0x4c: {  	_ =	shalt  }
0x4d: {  	_ =	shalt  }
0x4e: {  	_ =	shalt  }
0x4f: {  	_ =	shalt  }
0x50: {  	_ =	shalt  }
0x51: {  	_ =	shalt  }
0x52: {  	_ =	shalt  }
0x53: {  	_ =	shalt  }
0x54: {  	_ =	shalt  }
0x55: {  	_ =	shalt  }
0x56: {  	_ =	shalt  }
0x57: {  	_ =	shalt  }
0x58: {  	_ =	shalt  }
0x59: {  	_ =	shalt  }
0x5a: {  	_ =	shalt  }
0x5b: {  	_ =	shalt  }
0x5c: {  	_ =	shalt  }
0x5d: {  	_ =	shalt  }
0x5e: {  	_ =	shalt  }
0x5f: {  	_ =	shalt  }
0x60: {  	_ =	shalt  }
0x61: {  	_ =	shalt  }
0x62: {  	_ =	shalt  }
0x63: {  	_ =	shalt  }
0x64: {  	_ =	shalt  }
0x65: {  	_ =	shalt  }
0x66: {  	_ =	shalt  }
0x67: {  	_ =	shalt  }
0x68: {  	_ =	shalt  }
0x69: {  	_ =	shalt  }
0x6a: {  	_ =	shalt  }
0x6b: {  	_ =	shalt  }
0x6c: {  	_ =	shalt  }
0x6d: {  	_ =	shalt  }
0x6e: {  	_ =	shalt  }
0x6f: {  	_ =	shalt  }
0x70: {  	_ =	shalt  }
0x71: {  	_ =	shalt  }
0x72: {  	_ =	shalt  }
0x73: {  	_ =	shalt  }
0x74: {  	_ =	shalt  }
0x75: {  	_ =	shalt  }
0x76: {  	_ =	shalt  }
0x77: {  	_ =	shalt  }
0x78: {  	_ =	shalt  }
0x79: {  	_ =	shalt  }
0x7a: {  	_ =	shalt  }
0x7b: {  	_ =	shalt  }
0x7c: {  	_ =	shalt  }
0x7d: {  	_ =	shalt  }
0x7e: {  	_ =	shalt  }
0x7f: {  	_ =	shalt  }
0x80: {  	_ =	shalt  }
0x81: {  	_ =	shalt  }
0x82: {  	_ =	shalt  }
0x83: {  	_ =	shalt  }
0x84: {  	_ =	shalt  }
0x85: {  	_ =	shalt  }
0x86: {  	_ =	shalt  }
0x87: {  	_ =	shalt  }
.Lfunc_end0:
.L_simem_size_0:
called_computation.2_lowered:
.L_overlay_start_0:
0x88: {  	s2 =	sld [smem:$0x3FD9]  }
0x89: {  	s3 =	sld [smem:$0x3FFE];
	_ =	sdelay $0x1  }
0x8a: {  	s1 =	srdreg.scid  }
0x8b: {  	s0 =	sand.u32 $0x1, s1  }
0x8c: {  	s17 =	sshll.u32 s0, $0xA;
	s2 =	sadd.s32 s3, s2  }
0x8d: {  	s2 =	sadd.s32 s2, s17  }
0x8e: {  	[smem:$0x3FBF] =	sst s2  }
0x8f: {  	_ = 	snop  }
0x90: {  	s2 =	sld [smem:$0x3FD0];
	(tm) =	ssettm $0x1  }
0x91: {  	s18 =	sld [smem:$0x3FFB];
	_ =	sdelay $0x3  }
0x92: {  	_ =	strace s18  }
0x93: {  	s3 =	sld [smem:$0x3FFC];
	_ =	sdelay $0x3  }
0x94: {  	_ =	strace s3  }
0x95: {  	s3 =	sld [smem:$0x3FFD];
	_ =	sdelay $0x3  }
0x96: {  	_ =	strace s3  }
0x97: {  	_ =	strace $0x8FFFFFFF  }
0x98: {  	s19 =	sld [smem:$0x3FDB];
	_ =	sdelay $0x1  }
0x99: {  	s4 =	simm.s32 $_scs_section_size  }
0x9a: {  	s5 =	simm.s32 $_size__tile_overlayer_lowered;
	s6 =	simm.s32 $_tile_overlayer_lowered  }
0x9b: {  	s22 =	simm.s32 $0x1BFF;
	s21 =	sshll.u32 s6, $0x1;
	s3 =	sadd.s32 s4, s19  }
0x9c: {  	s7 =	simm.s32 $0x0;
	s20 =	sshll.u32 s5, $0x1;
	s5 =	sadd.s32 s21, s3  }
0x9d: {  	[timem:s7], [sflag:s22] =	dma.local [hbm:s5], s20  }
0x9e: {  	_ =	swait.ge [sflag:s22], s20  }
0x9f: {  	s4 =	ssub.s32 $0x0, s20;
	[sflag:s22] =	ssyncset.done $0x0  }
0xa0: {  	[sflag:s22] =	ssyncadd.s32 s4;
	_ =	sdelay $0x1  }
0xa1: {  	s23 =	simm.s32 $0x1B8B  }
0xa2: {  	_ =	swait.ge [sflag:s23], $0x1  }
0xa3: {  	[sflag:s23] =	ssyncset.done $0x0  }
0xa4: {  	s25 =	simm.s32 $0x1B8E;
	s24 =	sld [smem:$0x3FFE];
	[sflag:s23] =	ssyncadd.s32 $0xFFFFFFFF  }
0xa5: {  	s26 =	simm.s32 $execute0_lowered;
	[smem:$0x3FD2] =	sst s25  }
0xa6: {  	s5 =	sshll.u32 s26, $0x1;
	_ =	strace $0x8000004C;
	[dreg:$0x1] =	wrdreg $0xFFFFFFFF  }
0xa7: {  	s28 =	simm.s32 $_size_execute0_lowered;
	s3 =	sadd.s32 s3, s5;
	[dreg:$0x0] =	wrdreg $0x0  }
0xa8: {  	s5 =	sshll.u32 s28, $0x1;
	[dreg:$0x2] =	wrdreg s3  }
0xa9: {  	[dreg:$0x3] =	wrdreg s5  }
0xaa: {  	[dreg:$0x4] =	wrdreg $0xC0  }
0xab: {  	_ =	task [dreg:s7], $0x5FFFF  }
0xac: {  	[dreg:$0x1] =	wrdreg $0xFFFFFFFF  }
0xad: {  	[dreg:$0x0] =	wrdreg $0x60  }
0xae: {  	[dreg:$0x2] =	wrdreg s24  }
0xaf: {  	[dreg:$0x3] =	wrdreg s2  }
0xb0: {  	[dreg:$0x4] =	wrdreg $0x42000  }
0xb1: {  	[dreg:$0x5] =	wrdreg $0x9  }
0xb2: {  	_ =	task.clear_ibuf [dreg:s7], $0x6FFFF;
	_ =	strace $0x9000004C  }
0xb3: {  	s29 =	simm.s32 $0x9;
	_ =	strace $0x8000004E  }
0xb4: {  	_ =	swait.ge [sflag:s29], $0x1  }
0xb5: {  	[sflag:s29] =	ssyncadd.s32 $0xFFFFFFFF  }
0xb6: {  	_ =	strace $0x9000004E  }
0xb7: {  	_ =	sfence  }
0xb8: {  	s30 =	sld [smem:$0x0];
	_ =	sdelay $0x2  }
0xb9: {  	s31 =	sshll.u32 s1, $0xD;
	s1 =	sshrl.u32 s1, $0x2  }
0xba: {  	s3 =	sand.u32 $0x4000, s31;
	s1 =	sadd.s32 s1, s30  }
0xbb: {  	s0 =	sor.u32 s3, s0;
	s1 =	sshll.u32 s1, $0x11  }
0xbc: {  	s0 =	sor.u32 s1, s0  }
0xbd: {  	s0 =	sadd.s32 $0x8F2B, s0  }
0xbe: {  	[sflag:s0] =	ssyncadd.remote.s32 $0x1  }
0xbf: {  	_ =	sfence.sel $0xFFFF  }
0xc0: {  	[dreg:$0x0] =	wrdreg $0xFFFFFFFF;
	(pc) =	sbr.abs _section_cstart, $3  }
0xc1: {  	[dreg:$0x1] =	wrdreg $0xFFFFFFFF  }
0xc2: {  	_ =	task.clear_ibuf [dreg:s7], $0x2FFFF;
	_ =	strace $0x9FFFFFFF  }
0xc3: {  	(tm) =	ssettm $0x7FFFFFFF  }
tec
execute0_lowered:
.L_overlay_start_1:
0x0: {  	(tag) =	ssettag $0x1  }
0x1: {  	s6 =	rddreg [dreg:$0x0]  }
0x2: {  	s9 =	rddreg [dreg:$0x1]  }
0x3: {  	s1 =	rddreg [dreg:$0x2]  }
0x4: {  	s2 =	srdreg.scid;
	s0 =	rddreg [dreg:$0x3];
	s3 =	simm.s32 $0x0  }
0x5: {  	s19 =	simm.s32 $0x100;
	s20 =	simm.s32 $0x180;
	s7 =	sand.u32 $0x1, s2  }
0x6: {  	s21 =	simm.s32 $0x200;
	s2 =	stileid.u32;
	s5 =	smul.u32 $0x140000, s7  }
0x7: {  	s22 =	simm.s32 $0x1;
	s23 =	simm.s32 $0x0;
	s8 =	smul.u32 $0x14000, s2  }
0x8: {  	[smem:$0x7FF] =	sst s3;
	s4 =	sadd.s32 $0x34C00, s6;
	s10 =	smul.u32 $0x2800, s7  }
0x9: {  	_ =	strace $0x8000004D;
	s11 =	smul.u32 $0x50000, s2;
	s28 =	ssub.s32 $0x2, s7  }
0xa: {  	s13 =	sshll.u32 s2, $0x6;
	s29 =	smul.u32 $0x280, s2;
	s7 =	sshrl.u32 s28, $0x1  }
0xb: {  	s8 =	sadd.s32 s8, s5;
	s5 =	sadd.s32 $0x2600, s6;
	s12 =	sadd.s32 s10, s6  }
0xc: {  	s11 =	sshrl.u32 s11, $0x2;
	s14 =	ssub.s32 s28, s7;
	s31 =	sadd.s32 s10, s9  }
0xd: {  	s8 =	sshrl.u32 s8, $0x3;
	s15 =	sadd.s32 s11, s1;
	s12 =	sadd.s32 s29, s12  }
0xe: {  	s11 =	sadd.s32 s29, s31;
	s8 =	sadd.s32 s8, s6;
	s6 =	sor.u32 $0x1C02, s13  }
0xf: {  	s30 =	sadd.s32 $0x4000, s15;
	s16 =	sadd.s32 $0x8000, s15;
	s17 =	sadd.s32 $0xC000, s15  }
0x10: {  	s18 =	sadd.s32 $0x10000, s15;
	s9 =	sadd.s32 $0x2FC00, s12;
	s10 =	sadd.s32 $0x2AC00, s12  }
0x11: {  	s12 =	sshrl.u32 s15, $0x3;
	s13 =	simm.s32 $0x2;
	s7 =	sadd.s32 $0xACC00, s8  }
0x12: {  	s8 =	smax.u32 s14, $0x1;
	s14 =	sshrl.u32 s30, $0x3;
	s15 =	sshrl.u32 s16, $0x3  }
0x13: {  	s16 =	sshrl.u32 s17, $0x3;
	s17 =	sshrl.u32 s18, $0x3;
	s18 =	simm.s32 $0x80  }
.LBB2_1:
0x14: {  	[spmem:s12], [sflag:s6] =	dma.local [hbm:s5], $0x800  }
0x15: {  	_ =	swait.ge [sflag:s13], $0x800  }
0x16: {  	[sflag:s13] =	ssyncset.done $0x0  }
0x17: {  	[sflag:s13] =	ssyncadd.s32 $0xFFFFF800  }
0x18: {  	[spmem:s14], [sflag:s6] =	dma.local [hbm:s5], $0x800  }
0x19: {  	_ =	swait.ge [sflag:s13], $0x800  }
0x1a: {  	[sflag:s13] =	ssyncset.done $0x0  }
0x1b: {  	[sflag:s13] =	ssyncadd.s32 $0xFFFFF800  }
0x1c: {  	[spmem:s15], [sflag:s6] =	dma.local [hbm:s5], $0x800  }
0x1d: {  	_ =	swait.ge [sflag:s13], $0x800  }
0x1e: {  	[sflag:s13] =	ssyncset.done $0x0  }
0x1f: {  	[sflag:s13] =	ssyncadd.s32 $0xFFFFF800  }
0x20: {  	[spmem:s16], [sflag:s6] =	dma.local [hbm:s5], $0x800  }
0x21: {  	_ =	swait.ge [sflag:s13], $0x800  }
0x22: {  	[sflag:s13] =	ssyncset.done $0x0  }
0x23: {  	[sflag:s13] =	ssyncadd.s32 $0xFFFFF800  }
0x24: {  	[spmem:s17], [sflag:s6] =	dma.local [hbm:s5], $0x800  }
0x25: {  	_ =	swait.ge [sflag:s13], $0x800  }
0x26: {  	[sflag:s13] =	ssyncset.done $0x0  }
0x27: {  	[sflag:s13] =	ssyncadd.s32 $0xFFFFF800  }
0x28: {  	s24 =	sadd.s32 $0x0, s11;
	[bflag:$0x0] =	sbarrier.arrive $0xFFFF  }
0x29: {  	[tilespmem:s3], [sflag:$0x2] =	stream.linear.gather [hbm4b:s24+s3], $0x80, $0x38;
	[tilespmem:$0x18200] =	vst v63  }
0x2a: {  	_ =	swait.ge [sflag:s13], $0x80  }
0x2b: {  	[sflag:s13] =	ssyncset.done $0x0  }
0x2c: {  	s30 =	sadd.s32 $0x0, s10;
	[sflag:s13] =	ssyncadd.s32 $0xFFFFFF80  }
0x2d: {  	[tilespmem:s18], [sflag:$0x2] =	stream.linear.gather [hbm4b:s30+s3], $0x80, $0x38;
	[tilespmem:$0x18200] =	vst v63  }
0x2e: {  	_ =	swait.ge [sflag:s13], $0x80  }
0x2f: {  	[sflag:s13] =	ssyncset.done $0x0  }
0x30: {  	s31 =	sadd.s32 $0x0, s9;
	[sflag:s13] =	ssyncadd.s32 $0xFFFFFF80  }
0x31: {  	[tilespmem:s19], [sflag:$0x2] =	stream.linear.gather [hbm4b:s31+s3], $0x80, $0x38;
	[tilespmem:$0x18200] =	vst v63  }
0x32: {  	_ =	swait.ge [sflag:s13], $0x80  }
0x33: {  	[sflag:s13] =	ssyncset.done $0x0  }
0x34: {  	[sflag:s13] =	ssyncadd.s32 $0xFFFFFF80  }
0x35: {  	v1 =	vld [tilespmem:$0xB0]  }
0x36: {  	v0 =	vld [tilespmem:$0xC0]  }
0x37: {  	s24 =	simm.s32 $0x10;
	v2 =	vld [tilespmem:$0xE0]  }
.LBB2_2:
0x38: {  	p0 =	sne.s32 s24, $0x270;
	v3 =	vld [tilespmem:$0xF0];
	s25 =	smov.u32 s24;
	s24 =	sadd.s32 $0x10, s24  }
0x39: {  	v4 =	vld [tilespmem:$0x90]  }
0x3a: {  	v5 =	vld [tilespmem:$0xA0]  }
0x3b: {  	v6 =	vld [tilespmem:$0x60]  }
0x3c: {  	v7 =	vld [tilespmem:$0x30]  }
0x3d: {  	v8 =	vld [tilespmem:$0x20]  }
0x3e: {  	v9 =	vld [tilespmem:$0x70]  }
0x3f: {  	v10 =	vld [tilespmem:$0x10]  }
0x40: {  	v11 =	vld [tilespmem:$0x40];
	v6 =	vmul.u32 $0x3, v6  }
0x41: {  	v12 =	vld [tilespmem:$0x0];
	v7 =	vmul.u32 $0x3, v7  }
0x42: {  	v8 =	vmul.u32 $0x3, v8;
	v13 =	vld [tilespmem:$0x50];
	v2 =	vadd.s32 v2, v6  }
0x43: {  	v6 =	vld [tilespmem:$0x80];
	v1 =	vadd.s32 v1, v7;
	[tilespmem:$0x1E0] =	vst v2;
	v2 =	vmul.u32 $0x3, v9  }
0x44: {  	v7 =	vmul.u32 $0x3, v10;
	v5 =	vadd.s32 v5, v8;
	[tilespmem:$0x1B0] =	vst v1;
	v1 =	vld [tilespmem:$0xD0]  }
0x45: {  	[tilespmem:$0x1A0] =	vst v5;
	v5 =	vmul.u32 $0x3, v11;
	v2 =	vadd.s32 v3, v2  }
0x46: {  	v3 =	vmul.u32 $0x3, v12;
	v4 =	vadd.s32 v4, v7;
	[tilespmem:$0x1F0] =	vst v2  }
0x47: {  	[tilespmem:$0x190] =	vst v4;
	v0 =	vadd.s32 v0, v5;
	v2 =	vmul.u32 $0x3, v13  }
0x48: {  	v3 =	vadd.s32 v6, v3;
	[tilespmem:$0x1C0] =	vst v0  }
0x49: {  	[tilespmem:$0x180] =	vst v3;
	v0 =	vadd.s32 v1, v2  }
0x4a: {  	[tilespmem:$0x1D0] =	vst v0  }
0x4b: {  	[tilespmem:s21], [sflag:$0x1] =	stream.indirect.gather [hbm4b:s4+s18], $0x80, s20, s18, $0xb8;
	[tilespmem:$0x18200] =	vst v63  }
0x4c: {  	_ =	swait.ge [sflag:s22], $0x4000  }
0x4d: {  	[sflag:s22] =	ssyncset.done $0x0  }
0x4e: {  	[sflag:s22] =	ssyncadd.s32 $0xFFFFC000  }
0x4f: {  	[spmem:s1] =	stream.indirect.scatter.add.f32 [tilespmem:s21], [sflag:$0x2], $0x80, s19, s18, $0xb8;
	[tilespmem:$0x18200] =	vst v63  }
0x50: {  	_ =	swait.ge [sflag:s13], $0x4000  }
0x51: {  	[sflag:s13] =	ssyncset.done $0x0  }
0x52: {  	s26 =	sadd.s32 s25, s11;
	[sflag:s13] =	ssyncadd.s32 $0xFFFFC000  }
0x53: {  	[tilespmem:s3], [sflag:$0x2] =	stream.linear.gather [hbm4b:s26+s3], $0x80, $0x38;
	[tilespmem:$0x18200] =	vst v63  }
0x54: {  	_ =	swait.ge [sflag:s13], $0x80  }
0x55: {  	[sflag:s13] =	ssyncset.done $0x0  }
0x56: {  	s26 =	sadd.s32 s25, s10;
	[sflag:s13] =	ssyncadd.s32 $0xFFFFFF80  }
0x57: {  	[tilespmem:s18], [sflag:$0x2] =	stream.linear.gather [hbm4b:s26+s3], $0x80, $0x38;
	[tilespmem:$0x18200] =	vst v63  }
0x58: {  	_ =	swait.ge [sflag:s13], $0x80  }
0x59: {  	[sflag:s13] =	ssyncset.done $0x0  }
0x5a: {  	s25 =	sadd.s32 s25, s9;
	[sflag:s13] =	ssyncadd.s32 $0xFFFFFF80  }
0x5b: {  	[tilespmem:s19], [sflag:$0x2] =	stream.linear.gather [hbm4b:s25+s3], $0x80, $0x38;
	[tilespmem:$0x18200] =	vst v63  }
0x5c: {  	_ =	swait.ge [sflag:s13], $0x80  }
.Ltmp0:
0x5d: {  	[sflag:s13] =	ssyncset.done $0x0;
	(pc) =	sbr.rel @p0 .LBB2_2-.Ltmp0, $4  }
0x5e: {  	[sflag:s13] =	ssyncadd.s32 $0xFFFFFF80  }
0x5f: {  	v1 =	vld [tilespmem:$0xB0]  }
0x60: {  	v0 =	vld [tilespmem:$0xC0]  }
0x61: {  	v2 =	vld [tilespmem:$0xE0]  }
0x62: {  	v4 =	vld [tilespmem:$0x90]  }
0x63: {  	v5 =	vld [tilespmem:$0xA0]  }
0x64: {  	v6 =	vld [tilespmem:$0x60]  }
0x65: {  	v7 =	vld [tilespmem:$0x30]  }
0x66: {  	v8 =	vld [tilespmem:$0x20]  }
0x67: {  	v9 =	vld [tilespmem:$0x70]  }
0x68: {  	v10 =	vld [tilespmem:$0x10]  }
0x69: {  	v11 =	vld [tilespmem:$0x40]  }
0x6a: {  	v13 =	vld [tilespmem:$0x50];
	v6 =	vmul.u32 $0x3, v6  }
0x6b: {  	v12 =	vld [tilespmem:$0x0];
	v7 =	vmul.u32 $0x3, v7  }
0x6c: {  	v59 =	vld [tilespmem:$0xD0];
	v8 =	vmul.u32 $0x3, v8;
	v2 =	vadd.s32 v2, v6  }
0x6d: {  	v3 =	vld [tilespmem:$0xF0];
	v58 =	vmul.u32 $0x3, v10;
	v1 =	vadd.s32 v1, v7;
	[tilespmem:$0x1E0] =	vst v2  }
0x6e: {  	v56 =	vld [tilespmem:$0x80];
	v60 =	vmul.u32 $0x3, v11;
	v5 =	vadd.s32 v5, v8;
	[tilespmem:$0x1B0] =	vst v1  }
0x6f: {  	v62 =	vmul.u32 $0x3, v13;
	v4 =	vadd.s32 v4, v58;
	[tilespmem:$0x1A0] =	vst v5  }
0x70: {  	v57 =	vmul.u32 $0x3, v9;
	v0 =	vadd.s32 v0, v60;
	[tilespmem:$0x190] =	vst v4  }
0x71: {  	v61 =	vmul.u32 $0x3, v12;
	v63 =	vadd.s32 v59, v62;
	[tilespmem:$0x1C0] =	vst v0  }
0x72: {  	v2 =	vadd.s32 v3, v57;
	[tilespmem:$0x1D0] =	vst v63  }
0x73: {  	v3 =	vadd.s32 v56, v61;
	[tilespmem:$0x1F0] =	vst v2  }
0x74: {  	[tilespmem:$0x180] =	vst v3  }
0x75: {  	[tilespmem:s21], [sflag:$0x1] =	stream.indirect.gather [hbm4b:s4+s18], $0x80, s20, s18, $0xb8;
	[tilespmem:$0x18200] =	vst v63  }
0x76: {  	_ =	swait.ge [sflag:s22], $0x4000  }
0x77: {  	[sflag:s22] =	ssyncset.done $0x0  }
0x78: {  	[sflag:s22] =	ssyncadd.s32 $0xFFFFC000  }
0x79: {  	[spmem:s1] =	stream.indirect.scatter.add.f32 [tilespmem:s21], [sflag:$0x2], $0x80, s19, s18, $0xb8;
	[tilespmem:$0x18200] =	vst v63  }
0x7a: {  	_ =	swait.ge [sflag:s13], $0x4000  }
0x7b: {  	s23 =	sadd.s32 $0x1, s23;
	[sflag:s13] =	ssyncset.done $0x0  }
0x7c: {  	p0 =	sne.s32 s23, s8;
	[sflag:s13] =	ssyncadd.s32 $0xFFFFC000  }
.Ltmp1:
0x7d: {  	[bflag:$0x0] =	sbarrier.arrive $0xFFFF;
	(pc) =	sbr.rel @p0 .LBB2_1-.Ltmp1, $4  }
0x7e: {  	[hbm:s7], [sflag:s6] =	dma.local [spmem:s12], $0x2800  }
0x7f: {  	_ =	swait.ge [sflag:s13], $0x2800  }
0x80: {  	[sflag:s13] =	ssyncset.done $0x0  }
0x81: {  	[sflag:s13] =	ssyncadd.s32 $0xFFFFD800  }
0x82: {  	_ =	sfence.sel $0x180000  }
0x83: {  	[bflag:$0x0] =	sbarrier.arrive $0xFFFF  }
0x84: {  	p0 =	sne.s32 s2, $0x0;
	_ =	strace $0x9000004D  }
0x85: {  	s0 =	sadd.s32 @!p0 $0x100000, s0;
	[bflag:$0x2] =	sbarrier.arrive $0xFFFF  }
0x86: {  	[sflag:s0] =	ssyncadd.tile.s32 @!p0 $0x1;
	_ =	shalt  }
.Lfunc_end2:
_tile_overlayer_lowered:
.L_overlay_start_2:
0x87: {  	(tag) =	ssettag $0x2  }
0x88: {  	s0 =	rddreg [dreg:$0x0];
	s2 =	stileid.u32  }
0x89: {  	s1 =	rddreg [dreg:$0x1];
	p0 =	sne.s32 s2, $0x0  }
0x8a: {  	s3 =	rddreg [dreg:$0x2];
	[bflag:$0x3] =	sbarrier.arrive $0xFFFF;
	s2 =	simm.s32 @!p0 $0x1C02  }
0x8b: {  	[timem:s3], [sflag:s2] =	dma.local @!p0 [hbm:s0], s1  }
0x8c: {  	s0 =	simm.s32 @!p0 $0x2  }
0x8d: {  	_ =	swait.ge @!p0 [sflag:s0], s1  }
0x8e: {  	s1 =	ssub.s32 @!p0 $0x0, s1;
	[sflag:s0] =	ssyncset.done @!p0 $0x0  }
0x8f: {  	[sflag:s0] =	ssyncadd.s32 @!p0 s1  }
0x90: {  	[bflag:$0x3] =	sbarrier.arrive $0xFFFF  }
0x91: {  	_ =	shalt  }

// kernel: kernel.21.cloned.1.call-start
scs
__scs_entry_jumppad:
0x0: {  	(pc) =	sbr.rel $0x88, $3  }
0x1: {  	(tag) =	ssettag $0x0;
	lr =	simm.s32 $0x1  }
0x2: {  	[smem:$0x3F98] =	sst lr;
	_ =	strace $0xD0000000  }
0x3: {  	_ = 	snop  }
0x4: {  	_ = 	snop  }
0x5: {  	_ = 	snop  }
0x6: {  	_ = 	snop  }
0x7: {  	_ = 	snop  }
__scs_overlays_trampoline_lowered:
0x8: {  	[smem:$0x3FA7] =	sst s0  }
0x9: {  	[smem:$0x3FA8] =	sst s1  }
0xa: {  	[smem:$0x3FA9] =	sst s2  }
0xb: {  	[smem:$0x3FAA] =	sst s3  }
0xc: {  	[smem:$0x3FAB] =	sst s4  }
0xd: {  	[smem:$0x3FAC] =	sst s5  }
0xe: {  	[smem:$0x3FAD] =	sst s6  }
0xf: {  	[smem:$0x3FAE] =	sst s7  }
0x10: {  	[smem:$0x3FAF] =	sst s8  }
0x11: {  	[smem:$0x3FB0] =	sst s9;
	s0 =	simm.s32 @!p0 $0x0  }
0x12: {  	s1 =	sld [smem:$0x3F96];
	s0 =	simm.s32 @p0 $0x1  }
0x13: {  	[smem:$0x3FB1] =	sst s0;
	s0 =	simm.s32 @!p1 $0x0  }
0x14: {  	s2 =	sld [smem:$0x3F95];
	s0 =	simm.s32 @p1 $0x1  }
0x15: {  	[smem:$0x3FB2] =	sst s0;
	s0 =	simm.s32 @!p2 $0x0  }
0x16: {  	s3 =	sld [smem:$0x3FDB];
	s0 =	simm.s32 @p2 $0x1  }
0x17: {  	s4 =	simm.s32 $0x1BF5;
	[smem:$0x3FB4] =	sst s0  }
0x18: {  	s0 =	sld [smem:$0x3F97];
	_ =	swait.ge [sflag:s4], $0x0  }
0x19: {  	s7 =	sld [smem:$0x3F98]  }
0x1a: {  	s8 =	sadd.s32 $0xFFFFE003, lr  }
0x1b: {  	s9 =	sadd.s32 $0xFFFFFEF7, lr;
	s5 =	simm.s32 $0xFFFFFFFF;
	p2 =	slt.u32 s8, $0xFFFFF086  }
0x1c: {  	p1 =	slt.u32 s9, $0xF7A;
	s5 =	simm.s32 @!p2 $0x0  }
0x1d: {  	s5 =	simm.s32 @p1 $0x1;
	p0 =	seq.s32 s7, s2  }
0x1e: {  	s7 =	smul.u32 @!p0 $0xF7A, s2;
	p2 =	seq.s32 @!p0 s5, $0x0  }
0x1f: {  	s9 =	smul.u32 $0xF7A, s1;
	s8 =	simm.s32 @!p0 $0x1BF5;
	p2 =	por !p2, p0  }
0x20: {  	[sflag:s8] =	ssyncset.s32 @!p0 $0xFFFFF086;
	s6 =	sadd.s32 @!p0 s3, s7;
	s7 =	simm.s32 @!p0 $0x108  }
0x21: {  	s3 =	sadd.s32 s3, s9;
	s6 =	sadd.s32 @!p0 $0x88, s6;
	s7 =	simm.s32 @p2 $0x1082  }
0x22: {  	[simem:s7], [sflag:s8] =	dma.local @!p0 [hbm:s6], $0xF7A  }
0x23: {  	s9 =	sor.u32 $0xD0000000, s2;
	s6 =	simm.s32 $0x108;
	_ =	swait.ge @!p0 [sflag:s8], $0x0  }
0x24: {  	s3 =	sadd.s32 $0x88, s3;
	s6 =	simm.s32 @!p1 $0x1082;
	[sflag:s4] =	ssyncset.s32 $0xFFFFF086  }
0x25: {  	[simem:s6], [sflag:s4] =	dma.local [hbm:s3], $0xF7A  }
0x26: {  	[smem:$0x3F98] =	sst s1;
	(tag) =	ssettag s2;
	_ =	strace s9  }
0x27: {  	s1 =	sld [smem:$0x3FA8]  }
0x28: {  	s2 =	sld [smem:$0x3FA9]  }
0x29: {  	s4 =	sld [smem:$0x3FAB]  }
0x2a: {  	p0 =	seq.s32 s5, $0x0;
	s5 =	sld [smem:$0x3FAC]  }
0x2b: {  	s6 =	sld [smem:$0x3FAD]  }
0x2c: {  	s7 =	sld [smem:$0x3FAE]  }
0x2d: {  	s3 =	simm.s32 $0x108;
	s8 =	sld [smem:$0x3FAF]  }
0x2e: {  	s3 =	simm.s32 @!p0 $0x1082;
	s9 =	sld [smem:$0x3FB0]  }
0x2f: {  	lr =	sadd.s32 s0, s3;
	s0 =	sld [smem:$0x3FA7]  }
0x30: {  	s3 =	sld [smem:$0x3FAA]  }
0x31: {  	[smem:$0x3FB3] =	sst s10  }
0x32: {  	s10 =	sld [smem:$0x3FB1];
	_ =	sdelay $0x3  }
0x33: {  	p0 =	seq.s32 s10, $0x1;
	s10 =	sld [smem:$0x3FB3];
	_ =	sdelay $0x3  }
0x34: {  	[smem:$0x3FB3] =	sst s10  }
0x35: {  	s10 =	sld [smem:$0x3FB2];
	_ =	sdelay $0x3  }
0x36: {  	p1 =	seq.s32 s10, $0x1;
	s10 =	sld [smem:$0x3FB3];
	_ =	sdelay $0x3  }
0x37: {  	[smem:$0x3FB3] =	sst s10  }
0x38: {  	s10 =	sld [smem:$0x3FB4]  }
0x39: {  	_ = 	snop;
	(pc) =	sbr.ind lr, $3  }
0x3a: {  	_ = 	snop  }
0x3b: {  	_ = 	snop  }
0x3c: {  	p2 =	seq.s32 s10, $0x1;
	s10 =	sld [smem:$0x3FB3]  }
0x3d: {  	_ =	shalt  }
0x3e: {  	_ =	shalt  }
0x3f: {  	_ =	shalt  }
0x40: {  	_ =	shalt  }
0x41: {  	_ =	shalt  }
0x42: {  	_ =	shalt  }
0x43: {  	_ =	shalt  }
0x44: {  	_ =	shalt  }
0x45: {  	_ =	shalt  }
0x46: {  	_ =	shalt  }
0x47: {  	_ =	shalt  }
0x48: {  	_ =	shalt  }
0x49: {  	_ =	shalt  }
0x4a: {  	_ =	shalt  }
0x4b: {  	_ =	shalt  }
0x4c: {  	_ =	shalt  }
0x4d: {  	_ =	shalt  }
0x4e: {  	_ =	shalt  }
0x4f: {  	_ =	shalt  }
0x50: {  	_ =	shalt  }
0x51: {  	_ =	shalt  }
0x52: {  	_ =	shalt  }
0x53: {  	_ =	shalt  }
0x54: {  	_ =	shalt  }
0x55: {  	_ =	shalt  }
0x56: {  	_ =	shalt  }
0x57: {  	_ =	shalt  }
0x58: {  	_ =	shalt  }
0x59: {  	_ =	shalt  }
0x5a: {  	_ =	shalt  }
0x5b: {  	_ =	shalt  }
0x5c: {  	_ =	shalt  }
0x5d: {  	_ =	shalt  }
0x5e: {  	_ =	shalt  }
0x5f: {  	_ =	shalt  }
0x60: {  	_ =	shalt  }
0x61: {  	_ =	shalt  }
0x62: {  	_ =	shalt  }
0x63: {  	_ =	shalt  }
0x64: {  	_ =	shalt  }
0x65: {  	_ =	shalt  }
0x66: {  	_ =	shalt  }
0x67: {  	_ =	shalt  }
0x68: {  	_ =	shalt  }
0x69: {  	_ =	shalt  }
0x6a: {  	_ =	shalt  }
0x6b: {  	_ =	shalt  }
0x6c: {  	_ =	shalt  }
0x6d: {  	_ =	shalt  }
0x6e: {  	_ =	shalt  }
0x6f: {  	_ =	shalt  }
0x70: {  	_ =	shalt  }
0x71: {  	_ =	shalt  }
0x72: {  	_ =	shalt  }
0x73: {  	_ =	shalt  }
0x74: {  	_ =	shalt  }
0x75: {  	_ =	shalt  }
0x76: {  	_ =	shalt  }
0x77: {  	_ =	shalt  }
0x78: {  	_ =	shalt  }
0x79: {  	_ =	shalt  }
0x7a: {  	_ =	shalt  }
0x7b: {  	_ =	shalt  }
0x7c: {  	_ =	shalt  }
0x7d: {  	_ =	shalt  }
0x7e: {  	_ =	shalt  }
0x7f: {  	_ =	shalt  }
0x80: {  	_ =	shalt  }
0x81: {  	_ =	shalt  }
0x82: {  	_ =	shalt  }
0x83: {  	_ =	shalt  }
0x84: {  	_ =	shalt  }
0x85: {  	_ =	shalt  }
0x86: {  	_ =	shalt  }
0x87: {  	_ =	shalt  }
.Lfunc_end0:
.L_simem_size_0:
called_computation.3_lowered:
.L_overlay_start_0:
0x88: {  	s2 =	sld [smem:$0x3FD9]  }
0x89: {  	s3 =	sld [smem:$0x3FFE];
	_ =	sdelay $0x1  }
0x8a: {  	s1 =	srdreg.scid  }
0x8b: {  	s0 =	sand.u32 $0x1, s1  }
0x8c: {  	s17 =	sshll.u32 s0, $0xA;
	s2 =	sadd.s32 s3, s2  }
0x8d: {  	s2 =	sadd.s32 s2, s17  }
0x8e: {  	[smem:$0x3FBF] =	sst s2  }
0x8f: {  	_ = 	snop  }
0x90: {  	s2 =	sld [smem:$0x3FD0];
	(tm) =	ssettm $0x1  }
0x91: {  	s18 =	sld [smem:$0x3FFB];
	_ =	sdelay $0x3  }
0x92: {  	_ =	strace s18  }
0x93: {  	s3 =	sld [smem:$0x3FFC];
	_ =	sdelay $0x3  }
0x94: {  	_ =	strace s3  }
0x95: {  	s3 =	sld [smem:$0x3FFD];
	_ =	sdelay $0x3  }
0x96: {  	_ =	strace s3  }
0x97: {  	_ =	strace $0x8FFFFFFF  }
0x98: {  	s19 =	sld [smem:$0x3FDB];
	_ =	sdelay $0x1  }
0x99: {  	s4 =	simm.s32 $_scs_section_size  }
0x9a: {  	s5 =	simm.s32 $_size__tile_overlayer_lowered;
	s6 =	simm.s32 $_tile_overlayer_lowered  }
0x9b: {  	s22 =	simm.s32 $0x1BFF;
	s21 =	sshll.u32 s6, $0x1;
	s3 =	sadd.s32 s4, s19  }
0x9c: {  	s7 =	simm.s32 $0x0;
	s20 =	sshll.u32 s5, $0x1;
	s5 =	sadd.s32 s21, s3  }
0x9d: {  	[timem:s7], [sflag:s22] =	dma.local [hbm:s5], s20  }
0x9e: {  	_ =	swait.ge [sflag:s22], s20  }
0x9f: {  	s4 =	ssub.s32 $0x0, s20;
	[sflag:s22] =	ssyncset.done $0x0  }
0xa0: {  	[sflag:s22] =	ssyncadd.s32 s4;
	_ =	sdelay $0x1  }
0xa1: {  	s23 =	simm.s32 $0x1B8B  }
0xa2: {  	_ =	swait.ge [sflag:s23], $0x1  }
0xa3: {  	[sflag:s23] =	ssyncset.done $0x0  }
0xa4: {  	s25 =	simm.s32 $0x1B8E;
	s24 =	sld [smem:$0x3FFE];
	[sflag:s23] =	ssyncadd.s32 $0xFFFFFFFF  }
0xa5: {  	s26 =	simm.s32 $execute0_lowered;
	[smem:$0x3FD2] =	sst s25  }
0xa6: {  	s5 =	sshll.u32 s26, $0x1;
	_ =	strace $0x8000004F;
	[dreg:$0x1] =	wrdreg $0xFFFFFFFF  }
0xa7: {  	s28 =	simm.s32 $_size_execute0_lowered;
	s3 =	sadd.s32 s3, s5;
	[dreg:$0x0] =	wrdreg $0x0  }
0xa8: {  	s5 =	sshll.u32 s28, $0x1;
	[dreg:$0x2] =	wrdreg s3  }
0xa9: {  	[dreg:$0x3] =	wrdreg s5  }
0xaa: {  	[dreg:$0x4] =	wrdreg $0xC0  }
0xab: {  	_ =	task [dreg:s7], $0x5FFFF  }
0xac: {  	[dreg:$0x1] =	wrdreg $0xFFFFFFFF  }
0xad: {  	[dreg:$0x0] =	wrdreg $0x60  }
0xae: {  	[dreg:$0x2] =	wrdreg s24  }
0xaf: {  	[dreg:$0x3] =	wrdreg s2  }
0xb0: {  	[dreg:$0x4] =	wrdreg $0x42000  }
0xb1: {  	[dreg:$0x5] =	wrdreg $0x9  }
0xb2: {  	_ =	task.clear_ibuf [dreg:s7], $0x6FFFF;
	_ =	strace $0x9000004F  }
0xb3: {  	s29 =	simm.s32 $0x9;
	_ =	strace $0x80000051  }
0xb4: {  	_ =	swait.ge [sflag:s29], $0x1  }
0xb5: {  	[sflag:s29] =	ssyncadd.s32 $0xFFFFFFFF  }
0xb6: {  	_ =	strace $0x90000051  }
0xb7: {  	_ =	sfence  }
0xb8: {  	s30 =	sld [smem:$0x0];
	_ =	sdelay $0x2  }
0xb9: {  	s31 =	sshll.u32 s1, $0xD;
	s1 =	sshrl.u32 s1, $0x2  }
0xba: {  	s3 =	sand.u32 $0x4000, s31;
	s1 =	sadd.s32 s1, s30  }
0xbb: {  	s0 =	sor.u32 s3, s0;
	s1 =	sshll.u32 s1, $0x11  }
0xbc: {  	s0 =	sor.u32 s1, s0  }
0xbd: {  	s0 =	sadd.s32 $0x8F2B, s0  }
0xbe: {  	[sflag:s0] =	ssyncadd.remote.s32 $0x1  }
0xbf: {  	_ =	sfence.sel $0xFFFF  }
0xc0: {  	[dreg:$0x0] =	wrdreg $0xFFFFFFFF;
	(pc) =	sbr.abs _section_cstart, $3  }
0xc1: {  	[dreg:$0x1] =	wrdreg $0xFFFFFFFF  }
0xc2: {  	_ =	task.clear_ibuf [dreg:s7], $0x2FFFF;
	_ =	strace $0x9FFFFFFF  }
0xc3: {  	(tm) =	ssettm $0x7FFFFFFF  }
tec
execute0_lowered:
.L_overlay_start_1:
0x0: {  	(tag) =	ssettag $0x1  }
0x1: {  	s6 =	rddreg [dreg:$0x0]  }
0x2: {  	s9 =	rddreg [dreg:$0x1]  }
0x3: {  	s1 =	rddreg [dreg:$0x2]  }
0x4: {  	s2 =	srdreg.scid;
	s0 =	rddreg [dreg:$0x3];
	s3 =	simm.s32 $0x0  }
0x5: {  	s19 =	simm.s32 $0x100;
	s20 =	simm.s32 $0x180;
	s7 =	sand.u32 $0x1, s2  }
0x6: {  	s21 =	simm.s32 $0x200;
	s2 =	stileid.u32;
	s5 =	smul.u32 $0x140000, s7  }
0x7: {  	s22 =	simm.s32 $0x1;
	s23 =	simm.s32 $0x0;
	s8 =	smul.u32 $0x14000, s2  }
0x8: {  	[smem:$0x7FF] =	sst s3;
	s4 =	sadd.s32 $0x34C00, s6;
	s10 =	smul.u32 $0x2800, s7  }
0x9: {  	_ =	strace $0x80000050;
	s11 =	smul.u32 $0x50000, s2;
	s28 =	ssub.s32 $0x2, s7  }
0xa: {  	s13 =	sshll.u32 s2, $0x6;
	s29 =	smul.u32 $0x280, s2;
	s7 =	sshrl.u32 s28, $0x1  }
0xb: {  	s8 =	sadd.s32 s8, s5;
	s5 =	sadd.s32 $0x2600, s6;
	s12 =	sadd.s32 s10, s6  }
0xc: {  	s11 =	sshrl.u32 s11, $0x2;
	s14 =	ssub.s32 s28, s7;
	s31 =	sadd.s32 s10, s9  }
0xd: {  	s8 =	sshrl.u32 s8, $0x3;
	s15 =	sadd.s32 s11, s1;
	s12 =	sadd.s32 s29, s12  }
0xe: {  	s11 =	sadd.s32 s29, s31;
	s8 =	sadd.s32 s8, s6;
	s6 =	sor.u32 $0x1C02, s13  }
0xf: {  	s30 =	sadd.s32 $0x4000, s15;
	s16 =	sadd.s32 $0x8000, s15;
	s17 =	sadd.s32 $0xC000, s15  }
0x10: {  	s18 =	sadd.s32 $0x10000, s15;
	s9 =	sadd.s32 $0x2FC00, s12;
	s10 =	sadd.s32 $0x2AC00, s12  }
0x11: {  	s12 =	sshrl.u32 s15, $0x3;
	s13 =	simm.s32 $0x2;
	s7 =	sadd.s32 $0xACC00, s8  }
0x12: {  	s8 =	smax.u32 s14, $0x1;
	s14 =	sshrl.u32 s30, $0x3;
	s15 =	sshrl.u32 s16, $0x3  }
0x13: {  	s16 =	sshrl.u32 s17, $0x3;
	s17 =	sshrl.u32 s18, $0x3;
	s18 =	simm.s32 $0x80  }
.LBB2_1:
0x14: {  	[spmem:s12], [sflag:s6] =	dma.local [hbm:s5], $0x800  }
0x15: {  	_ =	swait.ge [sflag:s13], $0x800  }
0x16: {  	[sflag:s13] =	ssyncset.done $0x0  }
0x17: {  	[sflag:s13] =	ssyncadd.s32 $0xFFFFF800  }
0x18: {  	[spmem:s14], [sflag:s6] =	dma.local [hbm:s5], $0x800  }
0x19: {  	_ =	swait.ge [sflag:s13], $0x800  }
0x1a: {  	[sflag:s13] =	ssyncset.done $0x0  }
0x1b: {  	[sflag:s13] =	ssyncadd.s32 $0xFFFFF800  }
0x1c: {  	[spmem:s15], [sflag:s6] =	dma.local [hbm:s5], $0x800  }
0x1d: {  	_ =	swait.ge [sflag:s13], $0x800  }
0x1e: {  	[sflag:s13] =	ssyncset.done $0x0  }
0x1f: {  	[sflag:s13] =	ssyncadd.s32 $0xFFFFF800  }
0x20: {  	[spmem:s16], [sflag:s6] =	dma.local [hbm:s5], $0x800  }
0x21: {  	_ =	swait.ge [sflag:s13], $0x800  }
0x22: {  	[sflag:s13] =	ssyncset.done $0x0  }
0x23: {  	[sflag:s13] =	ssyncadd.s32 $0xFFFFF800  }
0x24: {  	[spmem:s17], [sflag:s6] =	dma.local [hbm:s5], $0x800  }
0x25: {  	_ =	swait.ge [sflag:s13], $0x800  }
0x26: {  	[sflag:s13] =	ssyncset.done $0x0  }
0x27: {  	[sflag:s13] =	ssyncadd.s32 $0xFFFFF800  }
0x28: {  	s24 =	sadd.s32 $0x0, s11;
	[bflag:$0x0] =	sbarrier.arrive $0xFFFF  }
0x29: {  	[tilespmem:s3], [sflag:$0x2] =	stream.linear.gather [hbm4b:s24+s3], $0x80, $0x38;
	[tilespmem:$0x18200] =	vst v63  }
0x2a: {  	_ =	swait.ge [sflag:s13], $0x80  }
0x2b: {  	[sflag:s13] =	ssyncset.done $0x0  }
0x2c: {  	s30 =	sadd.s32 $0x0, s10;
	[sflag:s13] =	ssyncadd.s32 $0xFFFFFF80  }
0x2d: {  	[tilespmem:s18], [sflag:$0x2] =	stream.linear.gather [hbm4b:s30+s3], $0x80, $0x38;
	[tilespmem:$0x18200] =	vst v63  }
0x2e: {  	_ =	swait.ge [sflag:s13], $0x80  }
0x2f: {  	[sflag:s13] =	ssyncset.done $0x0  }
0x30: {  	s31 =	sadd.s32 $0x0, s9;
	[sflag:s13] =	ssyncadd.s32 $0xFFFFFF80  }
0x31: {  	[tilespmem:s19], [sflag:$0x2] =	stream.linear.gather [hbm4b:s31+s3], $0x80, $0x38;
	[tilespmem:$0x18200] =	vst v63  }
0x32: {  	_ =	swait.ge [sflag:s13], $0x80  }
0x33: {  	[sflag:s13] =	ssyncset.done $0x0  }
0x34: {  	[sflag:s13] =	ssyncadd.s32 $0xFFFFFF80  }
0x35: {  	v1 =	vld [tilespmem:$0xB0]  }
0x36: {  	v0 =	vld [tilespmem:$0xC0]  }
0x37: {  	s24 =	simm.s32 $0x10;
	v2 =	vld [tilespmem:$0xE0]  }
.LBB2_2:
0x38: {  	p0 =	sne.s32 s24, $0x270;
	v3 =	vld [tilespmem:$0xF0];
	s25 =	smov.u32 s24;
	s24 =	sadd.s32 $0x10, s24  }
0x39: {  	v4 =	vld [tilespmem:$0x90]  }
0x3a: {  	v5 =	vld [tilespmem:$0xA0]  }
0x3b: {  	v6 =	vld [tilespmem:$0x60]  }
0x3c: {  	v7 =	vld [tilespmem:$0x30]  }
0x3d: {  	v8 =	vld [tilespmem:$0x20]  }
0x3e: {  	v9 =	vld [tilespmem:$0x70]  }
0x3f: {  	v10 =	vld [tilespmem:$0x10]  }
0x40: {  	v11 =	vld [tilespmem:$0x40];
	v6 =	vmul.u32 $0x3, v6  }
0x41: {  	v12 =	vld [tilespmem:$0x0];
	v7 =	vmul.u32 $0x3, v7  }
0x42: {  	v8 =	vmul.u32 $0x3, v8;
	v13 =	vld [tilespmem:$0x50];
	v2 =	vadd.s32 v2, v6  }
0x43: {  	v6 =	vld [tilespmem:$0x80];
	v1 =	vadd.s32 v1, v7;
	[tilespmem:$0x1E0] =	vst v2;
	v2 =	vmul.u32 $0x3, v9  }
0x44: {  	v7 =	vmul.u32 $0x3, v10;
	v5 =	vadd.s32 v5, v8;
	[tilespmem:$0x1B0] =	vst v1;
	v1 =	vld [tilespmem:$0xD0]  }
0x45: {  	[tilespmem:$0x1A0] =	vst v5;
	v5 =	vmul.u32 $0x3, v11;
	v2 =	vadd.s32 v3, v2  }
0x46: {  	v3 =	vmul.u32 $0x3, v12;
	v4 =	vadd.s32 v4, v7;
	[tilespmem:$0x1F0] =	vst v2  }
0x47: {  	[tilespmem:$0x190] =	vst v4;
	v0 =	vadd.s32 v0, v5;
	v2 =	vmul.u32 $0x3, v13  }
0x48: {  	v3 =	vadd.s32 v6, v3;
	[tilespmem:$0x1C0] =	vst v0  }
0x49: {  	[tilespmem:$0x180] =	vst v3;
	v0 =	vadd.s32 v1, v2  }
0x4a: {  	[tilespmem:$0x1D0] =	vst v0  }
0x4b: {  	[tilespmem:s21], [sflag:$0x1] =	stream.indirect.gather [hbm4b:s4+s18], $0x80, s20, s18, $0xb8;
	[tilespmem:$0x18200] =	vst v63  }
0x4c: {  	_ =	swait.ge [sflag:s22], $0x4000  }
0x4d: {  	[sflag:s22] =	ssyncset.done $0x0  }
0x4e: {  	[sflag:s22] =	ssyncadd.s32 $0xFFFFC000  }
0x4f: {  	[spmem:s1] =	stream.indirect.scatter.add.f32 [tilespmem:s21], [sflag:$0x2], $0x80, s19, s18, $0xb8;
	[tilespmem:$0x18200] =	vst v63  }
0x50: {  	_ =	swait.ge [sflag:s13], $0x4000  }
0x51: {  	[sflag:s13] =	ssyncset.done $0x0  }
0x52: {  	s26 =	sadd.s32 s25, s11;
	[sflag:s13] =	ssyncadd.s32 $0xFFFFC000  }
0x53: {  	[tilespmem:s3], [sflag:$0x2] =	stream.linear.gather [hbm4b:s26+s3], $0x80, $0x38;
	[tilespmem:$0x18200] =	vst v63  }
0x54: {  	_ =	swait.ge [sflag:s13], $0x80  }
0x55: {  	[sflag:s13] =	ssyncset.done $0x0  }
0x56: {  	s26 =	sadd.s32 s25, s10;
	[sflag:s13] =	ssyncadd.s32 $0xFFFFFF80  }
0x57: {  	[tilespmem:s18], [sflag:$0x2] =	stream.linear.gather [hbm4b:s26+s3], $0x80, $0x38;
	[tilespmem:$0x18200] =	vst v63  }
0x58: {  	_ =	swait.ge [sflag:s13], $0x80  }
0x59: {  	[sflag:s13] =	ssyncset.done $0x0  }
0x5a: {  	s25 =	sadd.s32 s25, s9;
	[sflag:s13] =	ssyncadd.s32 $0xFFFFFF80  }
0x5b: {  	[tilespmem:s19], [sflag:$0x2] =	stream.linear.gather [hbm4b:s25+s3], $0x80, $0x38;
	[tilespmem:$0x18200] =	vst v63  }
0x5c: {  	_ =	swait.ge [sflag:s13], $0x80  }
.Ltmp0:
0x5d: {  	[sflag:s13] =	ssyncset.done $0x0;
	(pc) =	sbr.rel @p0 .LBB2_2-.Ltmp0, $4  }
0x5e: {  	[sflag:s13] =	ssyncadd.s32 $0xFFFFFF80  }
0x5f: {  	v1 =	vld [tilespmem:$0xB0]  }
0x60: {  	v0 =	vld [tilespmem:$0xC0]  }
0x61: {  	v2 =	vld [tilespmem:$0xE0]  }
0x62: {  	v4 =	vld [tilespmem:$0x90]  }
0x63: {  	v5 =	vld [tilespmem:$0xA0]  }
0x64: {  	v6 =	vld [tilespmem:$0x60]  }
0x65: {  	v7 =	vld [tilespmem:$0x30]  }
0x66: {  	v8 =	vld [tilespmem:$0x20]  }
0x67: {  	v9 =	vld [tilespmem:$0x70]  }
0x68: {  	v10 =	vld [tilespmem:$0x10]  }
0x69: {  	v11 =	vld [tilespmem:$0x40]  }
0x6a: {  	v13 =	vld [tilespmem:$0x50];
	v6 =	vmul.u32 $0x3, v6  }
0x6b: {  	v12 =	vld [tilespmem:$0x0];
	v7 =	vmul.u32 $0x3, v7  }
0x6c: {  	v59 =	vld [tilespmem:$0xD0];
	v8 =	vmul.u32 $0x3, v8;
	v2 =	vadd.s32 v2, v6  }
0x6d: {  	v3 =	vld [tilespmem:$0xF0];
	v58 =	vmul.u32 $0x3, v10;
	v1 =	vadd.s32 v1, v7;
	[tilespmem:$0x1E0] =	vst v2  }
0x6e: {  	v56 =	vld [tilespmem:$0x80];
	v60 =	vmul.u32 $0x3, v11;
	v5 =	vadd.s32 v5, v8;
	[tilespmem:$0x1B0] =	vst v1  }
0x6f: {  	v62 =	vmul.u32 $0x3, v13;
	v4 =	vadd.s32 v4, v58;
	[tilespmem:$0x1A0] =	vst v5  }
0x70: {  	v57 =	vmul.u32 $0x3, v9;
	v0 =	vadd.s32 v0, v60;
	[tilespmem:$0x190] =	vst v4  }
0x71: {  	v61 =	vmul.u32 $0x3, v12;
	v63 =	vadd.s32 v59, v62;
	[tilespmem:$0x1C0] =	vst v0  }
0x72: {  	v2 =	vadd.s32 v3, v57;
	[tilespmem:$0x1D0] =	vst v63  }
0x73: {  	v3 =	vadd.s32 v56, v61;
	[tilespmem:$0x1F0] =	vst v2  }
0x74: {  	[tilespmem:$0x180] =	vst v3  }
0x75: {  	[tilespmem:s21], [sflag:$0x1] =	stream.indirect.gather [hbm4b:s4+s18], $0x80, s20, s18, $0xb8;
	[tilespmem:$0x18200] =	vst v63  }
0x76: {  	_ =	swait.ge [sflag:s22], $0x4000  }
0x77: {  	[sflag:s22] =	ssyncset.done $0x0  }
0x78: {  	[sflag:s22] =	ssyncadd.s32 $0xFFFFC000  }
0x79: {  	[spmem:s1] =	stream.indirect.scatter.add.f32 [tilespmem:s21], [sflag:$0x2], $0x80, s19, s18, $0xb8;
	[tilespmem:$0x18200] =	vst v63  }
0x7a: {  	_ =	swait.ge [sflag:s13], $0x4000  }
0x7b: {  	s23 =	sadd.s32 $0x1, s23;
	[sflag:s13] =	ssyncset.done $0x0  }
0x7c: {  	p0 =	sne.s32 s23, s8;
	[sflag:s13] =	ssyncadd.s32 $0xFFFFC000  }
.Ltmp1:
0x7d: {  	[bflag:$0x0] =	sbarrier.arrive $0xFFFF;
	(pc) =	sbr.rel @p0 .LBB2_1-.Ltmp1, $4  }
0x7e: {  	[hbm:s7], [sflag:s6] =	dma.local [spmem:s12], $0x2800  }
0x7f: {  	_ =	swait.ge [sflag:s13], $0x2800  }
0x80: {  	[sflag:s13] =	ssyncset.done $0x0  }
0x81: {  	[sflag:s13] =	ssyncadd.s32 $0xFFFFD800  }
0x82: {  	_ =	sfence.sel $0x180000  }
0x83: {  	[bflag:$0x0] =	sbarrier.arrive $0xFFFF  }
0x84: {  	p0 =	sne.s32 s2, $0x0;
	_ =	strace $0x90000050  }
0x85: {  	s0 =	sadd.s32 @!p0 $0x100000, s0;
	[bflag:$0x2] =	sbarrier.arrive $0xFFFF  }
0x86: {  	[sflag:s0] =	ssyncadd.tile.s32 @!p0 $0x1;
	_ =	shalt  }
.Lfunc_end2:
_tile_overlayer_lowered:
.L_overlay_start_2:
0x87: {  	(tag) =	ssettag $0x2  }
0x88: {  	s0 =	rddreg [dreg:$0x0];
	s2 =	stileid.u32  }
0x89: {  	s1 =	rddreg [dreg:$0x1];
	p0 =	sne.s32 s2, $0x0  }
0x8a: {  	s3 =	rddreg [dreg:$0x2];
	[bflag:$0x3] =	sbarrier.arrive $0xFFFF;
	s2 =	simm.s32 @!p0 $0x1C02  }
0x8b: {  	[timem:s3], [sflag:s2] =	dma.local @!p0 [hbm:s0], s1  }
0x8c: {  	s0 =	simm.s32 @!p0 $0x2  }
0x8d: {  	_ =	swait.ge @!p0 [sflag:s0], s1  }
0x8e: {  	s1 =	ssub.s32 @!p0 $0x0, s1;
	[sflag:s0] =	ssyncset.done @!p0 $0x0  }
0x8f: {  	[sflag:s0] =	ssyncadd.s32 @!p0 s1  }
0x90: {  	[bflag:$0x3] =	sbarrier.arrive $0xFFFF  }
0x91: {  	_ =	shalt  }

</sc_bundles>
